<compile_context>
chip_gen: v7x
topology: tpu7x:2x2x1
jax: 0.10.2.dev20260603
libtpu: 0.0.44.dev20260713+nightly
codegen_flags: <defaults>
</compile_context>

<pallas_src>
import functools

import jax
import jax.numpy as jnp
from jax import lax
from jax.experimental import pallas as pl
from jax.experimental.pallas import tpu as pltpu
from jax.experimental.pallas import tpu_sc as plsc

K_NEIGHBORS = 16
PM_THRESHOLD = 0.05
PM_WEIGHT = 1.0
CONS_WEIGHT = 0.5
GAN_WEIGHT = 0.1
REAL_LABEL = 1.0

B = 4
NC = 4096
NP = 2048
RC = 2048
RK = 512
NSETS = 2 * B
RW = NP // 8
SC_CORES = 2
SC_SUBCORES = 16


def _pm_match_body(c_ref, p_ref, pm_ref, matched_ref, pt_ref, runmin_ref):
    b = pl.program_id(0)
    t = pl.program_id(1)
    c2 = c_ref[0]

    @pl.when(t == 0)
    def _():
        pt_ref[0] = jnp.transpose(p_ref[0], (1, 0))

    pb = pt_ref[0]
    cc = jnp.sum(c2 * c2, axis=1)
    pp = jnp.sum(pb * pb, axis=0)
    g = lax.dot_general(c2, pb, (((1,), (0,)), ((), ())),
                        preferred_element_type=jnp.float32)
    d = cc[:, None] + pp[None, :] - 2.0 * g

    rowmin = jnp.min(d, axis=1)
    msk = (rowmin < PM_THRESHOLD).astype(jnp.float32)

    @pl.when((b == 0) & (t == 0))
    def _():
        pm_ref[0] = 0.0
        pm_ref[1] = 0.0

    pm_ref[0] += jnp.sum(rowmin * msk)
    pm_ref[1] += jnp.sum(msk)

    riota = lax.broadcasted_iota(jnp.int32, d.shape, 0)
    dk = (lax.bitcast_convert_type(d, jnp.int32) & (-2048)) | riota
    mt = jnp.min(dk, axis=0)
    sel = (dk == mt[None, :]).astype(jnp.float32)
    tp = lax.dot_general(c2, sel, (((0,), (0,)), ((), ())),
                         preferred_element_type=jnp.float32)

    @pl.when(t == 0)
    def _():
        runmin_ref[...] = jnp.full((NP,), 0x7FFFFFFF, jnp.int32)

    better = mt < runmin_ref[...]
    runmin_ref[...] = jnp.where(better, mt, runmin_ref[...])
    matched_ref[0] = jnp.where(better[None, :], tp, matched_ref[0])


def _pm_match(completed, partial):
    return pl.pallas_call(
        _pm_match_body,
        grid=(B, NC // RC),
        in_specs=[
            pl.BlockSpec((1, RC, 3), lambda b, t: (b, t, 0)),
            pl.BlockSpec((1, NP, 3), lambda b, t: (b, 0, 0)),
        ],
        out_specs=[
            pl.BlockSpec(memory_space=pltpu.SMEM),
            pl.BlockSpec((1, 3, NP), lambda b, t: (b, 0, 0)),
            pl.BlockSpec((1, 3, NP), lambda b, t: (b, 0, 0)),
        ],
        out_shape=[
            jax.ShapeDtypeStruct((2,), jnp.float32),
            jax.ShapeDtypeStruct((B, 3, NP), jnp.float32),
            jax.ShapeDtypeStruct((B, 3, NP), jnp.float32),
        ],
        scratch_shapes=[pltpu.VMEM((NP,), jnp.int32)],
    )(completed, partial)


def _knn16_body(prow_ref, mrow_ref, pfull_ref, mfull_ref, idx_ref):
    is_p = pl.program_id(0) < B
    rb = jnp.where(is_p, prow_ref[0], mrow_ref[0])
    ptsb = jnp.where(is_p, pfull_ref[0], mfull_ref[0])
    rr = jnp.sum(rb * rb, axis=0)
    pp = jnp.sum(ptsb * ptsb, axis=0)
    g = lax.dot_general(rb, ptsb, (((0,), (0,)), ((), ())),
                        preferred_element_type=jnp.float32)
    d = rr[:, None] + pp[None, :] - 2.0 * g
    ci = lax.broadcasted_iota(jnp.int32, d.shape, 1)
    keys = lax.bitcast_convert_type(
        ((lax.bitcast_convert_type(d, jnp.int32) & (-2048)) | ci)
        + 0x10000000, jnp.float32)
    a = keys[:, 0:128]
    b = keys[:, 128:256]
    a, b = jnp.minimum(a, b), jnp.maximum(a, b)
    c = keys[:, 256:384]
    b, c = jnp.minimum(b, c), jnp.maximum(b, c)
    a, b = jnp.minimum(a, b), jnp.maximum(a, b)
    for blk in range(3, 16):
        x = keys[:, blk * 128:(blk + 1) * 128]
        a, x = jnp.minimum(a, x), jnp.maximum(a, x)
        b, x = jnp.minimum(b, x), jnp.maximum(b, x)
        c = jnp.minimum(c, x)
    kiota = lax.broadcasted_iota(jnp.int32, (RK, K_NEIGHBORS), 1)
    acc = jnp.zeros((RK, K_NEIGHBORS), jnp.int32)
    inf = jnp.float32(jnp.inf)
    cur, n1, n2 = a, b, c
    for s in range(K_NEIGHBORS):
        m = jnp.min(cur, axis=1)
        acc = jnp.where(
            kiota == s,
            (lax.bitcast_convert_type(m, jnp.int32) & 2047)[:, None], acc)
        if s < K_NEIGHBORS - 1:
            hit = cur == m[:, None]
            cur = jnp.where(hit, n1, cur)
            n1 = jnp.where(hit, n2, n1)
            n2 = jnp.where(hit, inf, n2)
    idx_ref[0] = acc


def _knn16(pt, mt):
    return pl.pallas_call(
        _knn16_body,
        grid=(NSETS, NP // RK),
        in_specs=[
            pl.BlockSpec((1, 3, RK), lambda s, r: (s % B, 0, r)),
            pl.BlockSpec((1, 3, RK), lambda s, r: (s % B, 0, r)),
            pl.BlockSpec((1, 3, NP), lambda s, r: (s % B, 0, 0)),
            pl.BlockSpec((1, 3, NP), lambda s, r: (s % B, 0, 0)),
        ],
        out_specs=pl.BlockSpec((1, RK, K_NEIGHBORS), lambda s, r: (s, r, 0)),
        out_shape=jax.ShapeDtypeStruct((NSETS, NP, K_NEIGHBORS), jnp.int32),
    )(pt, mt, pt, mt)


def _features_sc_body(pt_hbm, mt_hbm, idx_hbm, sc_hbm, out_hbm,
                      ptv, mtv, dcv, piv, miv, accv, shrd, redv, scv):
    sid = lax.axis_index("s")
    core = lax.axis_index("c")
    wid = sid * SC_CORES + core
    bt = wid // 8
    base = (wid % 8) * RW
    pltpu.sync_copy(pt_hbm.at[bt], ptv)
    pltpu.sync_copy(mt_hbm.at[bt], mtv)
    pltpu.sync_copy(idx_hbm.at[bt, pl.ds(base * K_NEIGHBORS, RW * K_NEIGHBORS)], piv)
    pltpu.sync_copy(idx_hbm.at[B + bt, pl.ds(base * K_NEIGHBORS, RW * K_NEIGHBORS)], miv)

    def center_diff(k, carry):
        off = base + k * 16
        for c in range(3):
            dcv[pl.ds(c * NP + off, 16)] = (
                mtv[pl.ds(c * NP + off, 16)] - ptv[pl.ds(c * NP + off, 16)])
        return carry

    lax.fori_loop(0, RW // 16, center_diff, 0)

    def row(li, acc):
        pi = piv[pl.ds(li * K_NEIGHBORS, 16)]
        mi = miv[pl.ds(li * K_NEIGHBORS, 16)]
        gi = jnp.full((16,), base + li, jnp.int32)
        for c in range(3):
            off = c * NP
            pn = plsc.load_gather(ptv, [pi + off])
            mn = plsc.load_gather(mtv, [mi + off])
            dc = plsc.load_gather(dcv, [gi + off])
            diff = (mn - pn) - dc
            acc = acc + diff * diff
        return acc

    acc = lax.fori_loop(0, RW, row, jnp.zeros((16,), jnp.float32))
    accv[...] = acc
    pltpu.sync_copy(accv, shrd.at[sid])
    plsc.subcore_barrier()

    @pl.when(sid == 0)
    def _():
        pltpu.sync_copy(shrd, redv)
        pltpu.sync_copy(sc_hbm, scv)

        def red(i, tot):
            return tot + redv[i]

        tot = lax.fori_loop(0, SC_SUBCORES, red, jnp.zeros((16,), jnp.float32))
        cons_part = jnp.sum(tot) * (
            CONS_WEIGHT / (B * NP * K_NEIGHBORS * 3))
        v = scv[...]
        li = lax.iota(jnp.int32, 16)
        zero = jnp.zeros((16,), jnp.float32)
        pm = jnp.sum(jnp.where(li == 0, v, zero))
        gan_terms = jnp.where((li >= 1) & (li < 5),
                              (v - REAL_LABEL) * (v - REAL_LABEL), zero)
        gan = jnp.sum(gan_terms) * (GAN_WEIGHT / 4.0)
        part = cons_part + jnp.where(core == 0, pm + gan, jnp.float32(0.0))
        accv[...] = jnp.where(li == 0, part, zero)
        pltpu.sync_copy(accv, out_hbm.at[core])


@functools.lru_cache(maxsize=1)
def _features_sc():
    return pl.kernel(
        _features_sc_body,
        out_type=jax.ShapeDtypeStruct((SC_CORES, 16), jnp.float32),
        mesh=plsc.VectorSubcoreMesh(
            core_axis_name="c", subcore_axis_name="s",
            num_cores=SC_CORES, num_subcores=SC_SUBCORES),
        compiler_params=pltpu.CompilerParams(
            needs_layout_passes=False, use_tc_tiling_on_sc=False),
        scratch_types=[
            pltpu.VMEM((3 * NP,), jnp.float32),
            pltpu.VMEM((3 * NP,), jnp.float32),
            pltpu.VMEM((3 * NP,), jnp.float32),
            pltpu.VMEM((RW * K_NEIGHBORS,), jnp.int32),
            pltpu.VMEM((RW * K_NEIGHBORS,), jnp.int32),
            pltpu.VMEM((16,), jnp.float32),
            pltpu.VMEM_SHARED((SC_SUBCORES, 16), jnp.float32),
            pltpu.VMEM((SC_SUBCORES, 16), jnp.float32),
            pltpu.VMEM((16,), jnp.float32),
        ],
    )


def kernel(completed, partial, pred_fake):
    pm_acc, matched_t, pt = _pm_match(completed, partial)
    idx = _knn16(pt, matched_t)
    msum = pm_acc[1]
    pm_loss = PM_WEIGHT * jnp.where(
        msum > 0, pm_acc[0] / (msum + 1e-06), 0.0)
    scal = jnp.concatenate(
        [pm_loss[None], pred_fake.reshape(B), jnp.zeros((11,), jnp.float32)])
    parts = _features_sc()(
        pt.reshape(B, 3 * NP), matched_t.reshape(B, 3 * NP),
        idx.reshape(NSETS, NP * K_NEIGHBORS), scal)
    return jnp.sum(parts)

# --- scband reference (transcript-rebuilt; emitter-appended) ---
"""Pipeline reference for scband-structural-consistency-loss-64991445123090 (READ-ONLY COPY).

The authoritative reference and input builder live on the scoring server;
editing this copy changes nothing except your own understanding.
"""

import jax, jax.numpy as jnp
import numpy as np

K_NEIGHBORS = 16
PM_THRESHOLD = 0.05
PM_WEIGHT = 1.0
CONS_WEIGHT = 0.5
GAN_WEIGHT = 0.1
REAL_LABEL = 1.0


def pairwise_sqdist(a, b):
    # a: (B, N, 3), b: (B, M, 3) -> (B, N, M) squared euclidean distances
    aa = jnp.sum(a * a, axis=-1)[:, :, None]
    bb = jnp.sum(b * b, axis=-1)[:, None, :]
    ab = jnp.einsum('bnd,bmd->bnm', a, b)
    return aa + bb - 2.0 * ab


def knn_idx(points, k):
    # points: (B, N, 3) -> idx (B, N, k) of k nearest neighbors (incl. self)
    d = pairwise_sqdist(points, points)
    _, idx = jax.lax.top_k(-d, k)
    return idx


def compute_local_geometry(points, k):
    # points: (B, N, 3) -> (B, N, k*3) relative positions of k nearest neighbors
    B, N, _ = points.shape
    idx = knn_idx(points, k)
    neighbors = jax.vmap(lambda p, i: p[i])(points, idx)  # (B, N, k, 3)
    center = points[:, :, None, :]
    rel = neighbors - center
    return rel.reshape(B, N, k * 3)


def setup_inputs(seed: int = 0) -> dict:
    key = jax.random.key(seed)
    k1, k2, k3 = jax.random.split(key, 3)
    completed = jax.random.normal(k1, (4, 4096, 3), dtype=jnp.float32)
    partial = jax.random.normal(k2, (4, 2048, 3), dtype=jnp.float32)
    pred_fake = jax.random.normal(k3, (4, 1), dtype=jnp.float32)
    return {"completed": completed, "partial": partial, "pred_fake": pred_fake}


def reference(completed, partial, pred_fake):
    # ---- Partial matching loss: nearest distance from completed -> partial ----
    d_c2p = pairwise_sqdist(completed, partial)          # (B, Nc, Np)
    dist_c2p = jnp.min(d_c2p, axis=-1)                   # (B, Nc)
    mask = (dist_c2p < PM_THRESHOLD).astype(jnp.float32)
    msum = mask.sum()
    pm_loss = jnp.where(msum > 0, (dist_c2p * mask).sum() / (msum + 1e-06), 0.0)
    pm_loss = PM_WEIGHT * pm_loss

    # ---- Consistency loss ----
    d_p2c = pairwise_sqdist(partial, completed)          # (B, Np, Nc)
    idx = jnp.argmin(d_p2c, axis=-1)                     # (B, Np) indices into completed
    matched_points = jnp.take_along_axis(completed, idx[:, :, None], axis=1)  # (B, Np, 3)
    partial_features = compute_local_geometry(partial, K_NEIGHBORS)
    matched_features = compute_local_geometry(matched_points, K_NEIGHBORS)
    cons_loss = jnp.mean((matched_features - partial_features) ** 2)
    cons_loss = CONS_WEIGHT * cons_loss

    # ---- GAN loss (lsgan, target_is_real=True) ----
    gan_loss = jnp.mean((pred_fake - REAL_LABEL) ** 2) * GAN_WEIGHT

    total = pm_loss + cons_loss + gan_loss
    return total

if __name__ == "__main__":
    import jax
    _d = setup_inputs()
    print(jax.jit(kernel)(*tuple(_d.values())))

</pallas_src>

<mosaic_0001>
#map = affine_map<(d0, d1) -> (0, 0)>
#map1 = affine_map<(d0, d1) -> (0)>
module attributes {stable_mosaic.version = 14 : i64} {
  func.func @_features_sc_body(%arg0: i32, %arg1: i32, %arg2: memref<4x6144xf32, #tpu.memory_space<hbm>>, %arg3: memref<4x6144xf32, #tpu.memory_space<hbm>>, %arg4: memref<8x32768xi32, #tpu.memory_space<hbm>>, %arg5: memref<16xf32, #tpu.memory_space<hbm>>, %arg6: memref<2x16xf32, #tpu.memory_space<hbm>>, %arg7: memref<6144xf32, #tpu.memory_space<vmem>>, %arg8: memref<6144xf32, #tpu.memory_space<vmem>>, %arg9: memref<6144xf32, #tpu.memory_space<vmem>>, %arg10: memref<4096xi32, #tpu.memory_space<vmem>>, %arg11: memref<4096xi32, #tpu.memory_space<vmem>>, %arg12: memref<16xf32, #tpu.memory_space<vmem>>, %arg13: memref<16x16xf32, #tpu.memory_space<vmem_shared>>, %arg14: memref<16x16xf32, #tpu.memory_space<vmem>>, %arg15: memref<16xf32, #tpu.memory_space<vmem>>) attributes {dimension_semantics = [#tpu.dimension_semantics<core_parallel>, #tpu.dimension_semantics<subcore_parallel>], iteration_bounds = array<i64: 2, 16>, scalar_prefetch = 0 : i64, scratch_operands = 9 : i64, tpu.core_type = #tpu.core_type<sc_vector_subcore>, window_params = [{transform_indices = #map}, {transform_indices = #map}, {transform_indices = #map}, {transform_indices = #map1}, {transform_indices = #map}]} {
    %mul3A = arith.constant 2 : i32
    %mul3A_0 = arith.muli %arg1, %mul3A : i32
    %add3A = arith.addi %mul3A_0, %arg0 : i32
    %jit3A = arith.constant 8 : i32
    %div3A = arith.divsi %add3A, %jit3A : i32
    %sign3A = arith.constant 0 : i32
    %sign3A_1 = arith.cmpi sgt, %add3A, %sign3A : i32
    %sign3A_2 = arith.extui %sign3A_1 : i1 to i32
    %sign3A_3 = arith.constant 0 : i32
    %sign3A_4 = arith.cmpi slt, %add3A, %sign3A_3 : i32
    %sign3A_5 = arith.extui %sign3A_4 : i1 to i32
    %sign3A_6 = arith.subi %sign3A_2, %sign3A_5 : i32
    %sign3A_7 = arith.constant 0 : i32
    %sign3A_8 = arith.cmpi sgt, %jit3A, %sign3A_7 : i32
    %sign3A_9 = arith.extui %sign3A_8 : i1 to i32
    %sign3A_10 = arith.constant 0 : i32
    %sign3A_11 = arith.cmpi slt, %jit3A, %sign3A_10 : i32
    %sign3A_12 = arith.extui %sign3A_11 : i1 to i32
    %sign3A_13 = arith.subi %sign3A_9, %sign3A_12 : i32
    %ne3A = arith.cmpi ne, %sign3A_6, %sign3A_13 : i32
    %rem3A = arith.remsi %add3A, %jit3A : i32
    %ne3A_14 = arith.constant 0 : i32
    %ne3A_15 = arith.cmpi ne, %rem3A, %ne3A_14 : i32
    %and3A = arith.andi %ne3A, %ne3A_15 : i1
    %sub3A = arith.constant 1 : i32
    %sub3A_16 = arith.subi %div3A, %sub3A : i32
    %select_n3A = arith.select %and3A, %sub3A_16, %div3A : i32
    %jit3A_17 = arith.constant 8 : i32
    %eq3A = arith.constant 0 : i32
    %eq3A_18 = arith.cmpi eq, %jit3A_17, %eq3A : i32
    %jit3A_19 = arith.constant 1 : i32
    %select_n3A_20 = arith.select %eq3A_18, %jit3A_19, %jit3A_17 : i32
    %rem3A_21 = arith.remsi %add3A, %select_n3A_20 : i32
    %ne3A_22 = arith.constant 0 : i32
    %ne3A_23 = arith.cmpi ne, %rem3A_21, %ne3A_22 : i32
    %lt3A = arith.constant 0 : i32
    %lt3A_24 = arith.cmpi slt, %rem3A_21, %lt3A : i32
    %lt3A_25 = arith.constant 0 : i32
    %lt3A_26 = arith.cmpi slt, %select_n3A_20, %lt3A_25 : i32
    %ne3A_27 = arith.xori %lt3A_24, %lt3A_26 : i1
    %and3A_28 = arith.andi %ne3A_27, %ne3A_23 : i1
    %add3A_29 = arith.addi %rem3A_21, %select_n3A_20 : i32
    %select_n3A_30 = arith.select %and3A_28, %add3A_29, %rem3A_21 : i32
    %mul3A_31 = arith.constant 256 : i32
    %mul3A_32 = arith.muli %select_n3A_30, %mul3A_31 : i32
    "tpu.region"() ({
      %run_scoped3A = tpu.sem_alloc : memref<!tpu.dma_semaphore, #tpu.memory_space<semaphore_mem>>
      %dma_start3A = arith.constant 0 : i32
      %dma_start3A_55 = tpu.memref_slice %arg2[%select_n3A, %dma_start3A] : memref<4x6144xf32, #tpu.memory_space<hbm>> -> memref<1x6144xf32, #tpu.memory_space<hbm>>
      %dma_start3A_56 = tpu.memref_squeeze %dma_start3A_55 : memref<1x6144xf32, #tpu.memory_space<hbm>> -> memref<6144xf32, #tpu.memory_space<hbm>>
      %dma_start3A_57 = arith.constant 0 : i32
      %dma_start3A_58 = tpu.memref_slice %arg2[%select_n3A, %dma_start3A_57] : memref<4x6144xf32, #tpu.memory_space<hbm>> -> memref<1x6144xf32, #tpu.memory_space<hbm>>
      %dma_start3A_59 = tpu.memref_squeeze %dma_start3A_58 : memref<1x6144xf32, #tpu.memory_space<hbm>> -> memref<6144xf32, #tpu.memory_space<hbm>>
      tpu.enqueue_dma source(%dma_start3A_59 : memref<6144xf32, #tpu.memory_space<hbm>>) target(%arg7 : memref<6144xf32, #tpu.memory_space<vmem>>) target_semaphore(%run_scoped3A : memref<!tpu.dma_semaphore, #tpu.memory_space<semaphore_mem>>)
      %dma_wait3A = arith.constant 0 : i32
      %dma_wait3A_60 = tpu.memref_slice %arg2[%select_n3A, %dma_wait3A] : memref<4x6144xf32, #tpu.memory_space<hbm>> -> memref<1x6144xf32, #tpu.memory_space<hbm>>
      %dma_wait3A_61 = tpu.memref_squeeze %dma_wait3A_60 : memref<1x6144xf32, #tpu.memory_space<hbm>> -> memref<6144xf32, #tpu.memory_space<hbm>>
      %dma_wait3A_62 = arith.constant 0 : i32
      %dma_wait3A_63 = tpu.memref_slice %arg2[%select_n3A, %dma_wait3A_62] : memref<4x6144xf32, #tpu.memory_space<hbm>> -> memref<1x6144xf32, #tpu.memory_space<hbm>>
      %dma_wait3A_64 = tpu.memref_squeeze %dma_wait3A_63 : memref<1x6144xf32, #tpu.memory_space<hbm>> -> memref<6144xf32, #tpu.memory_space<hbm>>
      tpu.wait_dma2 semaphore(%run_scoped3A : memref<!tpu.dma_semaphore, #tpu.memory_space<semaphore_mem>>) src(%dma_wait3A_64 : memref<6144xf32, #tpu.memory_space<hbm>>) dst(%arg7 : memref<6144xf32, #tpu.memory_space<vmem>>)
      tpu.yield
    }) : () -> ()
    "tpu.region"() ({
      %run_scoped3A = tpu.sem_alloc : memref<!tpu.dma_semaphore, #tpu.memory_space<semaphore_mem>>
      %dma_start3A = arith.constant 0 : i32
      %dma_start3A_55 = tpu.memref_slice %arg3[%select_n3A, %dma_start3A] : memref<4x6144xf32, #tpu.memory_space<hbm>> -> memref<1x6144xf32, #tpu.memory_space<hbm>>
      %dma_start3A_56 = tpu.memref_squeeze %dma_start3A_55 : memref<1x6144xf32, #tpu.memory_space<hbm>> -> memref<6144xf32, #tpu.memory_space<hbm>>
      %dma_start3A_57 = arith.constant 0 : i32
      %dma_start3A_58 = tpu.memref_slice %arg3[%select_n3A, %dma_start3A_57] : memref<4x6144xf32, #tpu.memory_space<hbm>> -> memref<1x6144xf32, #tpu.memory_space<hbm>>
      %dma_start3A_59 = tpu.memref_squeeze %dma_start3A_58 : memref<1x6144xf32, #tpu.memory_space<hbm>> -> memref<6144xf32, #tpu.memory_space<hbm>>
      tpu.enqueue_dma source(%dma_start3A_59 : memref<6144xf32, #tpu.memory_space<hbm>>) target(%arg8 : memref<6144xf32, #tpu.memory_space<vmem>>) target_semaphore(%run_scoped3A : memref<!tpu.dma_semaphore, #tpu.memory_space<semaphore_mem>>)
      %dma_wait3A = arith.constant 0 : i32
      %dma_wait3A_60 = tpu.memref_slice %arg3[%select_n3A, %dma_wait3A] : memref<4x6144xf32, #tpu.memory_space<hbm>> -> memref<1x6144xf32, #tpu.memory_space<hbm>>
      %dma_wait3A_61 = tpu.memref_squeeze %dma_wait3A_60 : memref<1x6144xf32, #tpu.memory_space<hbm>> -> memref<6144xf32, #tpu.memory_space<hbm>>
      %dma_wait3A_62 = arith.constant 0 : i32
      %dma_wait3A_63 = tpu.memref_slice %arg3[%select_n3A, %dma_wait3A_62] : memref<4x6144xf32, #tpu.memory_space<hbm>> -> memref<1x6144xf32, #tpu.memory_space<hbm>>
      %dma_wait3A_64 = tpu.memref_squeeze %dma_wait3A_63 : memref<1x6144xf32, #tpu.memory_space<hbm>> -> memref<6144xf32, #tpu.memory_space<hbm>>
      tpu.wait_dma2 semaphore(%run_scoped3A : memref<!tpu.dma_semaphore, #tpu.memory_space<semaphore_mem>>) src(%dma_wait3A_64 : memref<6144xf32, #tpu.memory_space<hbm>>) dst(%arg8 : memref<6144xf32, #tpu.memory_space<vmem>>)
      tpu.yield
    }) : () -> ()
    %mul3A_33 = arith.constant 16 : i32
    %mul3A_34 = arith.muli %mul3A_32, %mul3A_33 : i32
    "tpu.region"() ({
      %run_scoped3A = tpu.sem_alloc : memref<!tpu.dma_semaphore, #tpu.memory_space<semaphore_mem>>
      %dma_start3A = tpu.memref_slice %arg4[%select_n3A, %mul3A_34] : memref<8x32768xi32, #tpu.memory_space<hbm>> -> memref<1x4096xi32, #tpu.memory_space<hbm>>
      %dma_start3A_55 = tpu.memref_squeeze %dma_start3A : memref<1x4096xi32, #tpu.memory_space<hbm>> -> memref<4096xi32, #tpu.memory_space<hbm>>
      %dma_start3A_56 = tpu.memref_slice %arg4[%select_n3A, %mul3A_34] : memref<8x32768xi32, #tpu.memory_space<hbm>> -> memref<1x4096xi32, #tpu.memory_space<hbm>>
      %dma_start3A_57 = tpu.memref_squeeze %dma_start3A_56 : memref<1x4096xi32, #tpu.memory_space<hbm>> -> memref<4096xi32, #tpu.memory_space<hbm>>
      tpu.enqueue_dma source(%dma_start3A_57 : memref<4096xi32, #tpu.memory_space<hbm>>) target(%arg10 : memref<4096xi32, #tpu.memory_space<vmem>>) target_semaphore(%run_scoped3A : memref<!tpu.dma_semaphore, #tpu.memory_space<semaphore_mem>>)
      %dma_wait3A = tpu.memref_slice %arg4[%select_n3A, %mul3A_34] : memref<8x32768xi32, #tpu.memory_space<hbm>> -> memref<1x4096xi32, #tpu.memory_space<hbm>>
      %dma_wait3A_58 = tpu.memref_squeeze %dma_wait3A : memref<1x4096xi32, #tpu.memory_space<hbm>> -> memref<4096xi32, #tpu.memory_space<hbm>>
      %dma_wait3A_59 = tpu.memref_slice %arg4[%select_n3A, %mul3A_34] : memref<8x32768xi32, #tpu.memory_space<hbm>> -> memref<1x4096xi32, #tpu.memory_space<hbm>>
      %dma_wait3A_60 = tpu.memref_squeeze %dma_wait3A_59 : memref<1x4096xi32, #tpu.memory_space<hbm>> -> memref<4096xi32, #tpu.memory_space<hbm>>
      tpu.wait_dma2 semaphore(%run_scoped3A : memref<!tpu.dma_semaphore, #tpu.memory_space<semaphore_mem>>) src(%dma_wait3A_60 : memref<4096xi32, #tpu.memory_space<hbm>>) dst(%arg10 : memref<4096xi32, #tpu.memory_space<vmem>>)
      tpu.yield
    }) : () -> ()
    %add3A_35 = arith.constant 4 : i32
    %add3A_36 = arith.addi %add3A_35, %select_n3A : i32
    %mul3A_37 = arith.constant 16 : i32
    %mul3A_38 = arith.muli %mul3A_32, %mul3A_37 : i32
    "tpu.region"() ({
      %run_scoped3A = tpu.sem_alloc : memref<!tpu.dma_semaphore, #tpu.memory_space<semaphore_mem>>
      %dma_start3A = tpu.memref_slice %arg4[%add3A_36, %mul3A_38] : memref<8x32768xi32, #tpu.memory_space<hbm>> -> memref<1x4096xi32, #tpu.memory_space<hbm>>
      %dma_start3A_55 = tpu.memref_squeeze %dma_start3A : memref<1x4096xi32, #tpu.memory_space<hbm>> -> memref<4096xi32, #tpu.memory_space<hbm>>
      %dma_start3A_56 = tpu.memref_slice %arg4[%add3A_36, %mul3A_38] : memref<8x32768xi32, #tpu.memory_space<hbm>> -> memref<1x4096xi32, #tpu.memory_space<hbm>>
      %dma_start3A_57 = tpu.memref_squeeze %dma_start3A_56 : memref<1x4096xi32, #tpu.memory_space<hbm>> -> memref<4096xi32, #tpu.memory_space<hbm>>
      tpu.enqueue_dma source(%dma_start3A_57 : memref<4096xi32, #tpu.memory_space<hbm>>) target(%arg11 : memref<4096xi32, #tpu.memory_space<vmem>>) target_semaphore(%run_scoped3A : memref<!tpu.dma_semaphore, #tpu.memory_space<semaphore_mem>>)
      %dma_wait3A = tpu.memref_slice %arg4[%add3A_36, %mul3A_38] : memref<8x32768xi32, #tpu.memory_space<hbm>> -> memref<1x4096xi32, #tpu.memory_space<hbm>>
      %dma_wait3A_58 = tpu.memref_squeeze %dma_wait3A : memref<1x4096xi32, #tpu.memory_space<hbm>> -> memref<4096xi32, #tpu.memory_space<hbm>>
      %dma_wait3A_59 = tpu.memref_slice %arg4[%add3A_36, %mul3A_38] : memref<8x32768xi32, #tpu.memory_space<hbm>> -> memref<1x4096xi32, #tpu.memory_space<hbm>>
      %dma_wait3A_60 = tpu.memref_squeeze %dma_wait3A_59 : memref<1x4096xi32, #tpu.memory_space<hbm>> -> memref<4096xi32, #tpu.memory_space<hbm>>
      tpu.wait_dma2 semaphore(%run_scoped3A : memref<!tpu.dma_semaphore, #tpu.memory_space<semaphore_mem>>) src(%dma_wait3A_60 : memref<4096xi32, #tpu.memory_space<hbm>>) dst(%arg11 : memref<4096xi32, #tpu.memory_space<vmem>>)
      tpu.yield
    }) : () -> ()
    %scan3A = arith.constant 0 : i32
    %scan3A_39 = arith.constant 0 : i32
    %scan3A_40 = arith.constant 16 : i32
    %scan3A_41 = arith.addi %scan3A_39, %scan3A_40 : i32
    %scan3A_42 = arith.constant 1 : i32
    scf.for %scan3A_55 = %scan3A_39 to %scan3A_41 step %scan3A_42  : i32 {
      %mul3A_56 = arith.constant 16 : i32
      %mul3A_57 = arith.muli %scan3A_55, %mul3A_56 : i32
      %add3A_58 = arith.addi %mul3A_32, %mul3A_57 : i32
      %add3A_59 = arith.constant 0 : i32
      %add3A_60 = arith.addi %add3A_59, %add3A_58 : i32
      %get3A = arith.index_cast %add3A_60 : i32 to index
      %get3A_61 = tpu.vector_load %arg8[%get3A] {strides = array<i32>} : memref<6144xf32, #tpu.memory_space<vmem>>, vector<16xf32>,
      %add3A_62 = arith.constant 0 : i32
      %add3A_63 = arith.addi %add3A_62, %add3A_58 : i32
      %get3A_64 = arith.index_cast %add3A_63 : i32 to index
      %get3A_65 = tpu.vector_load %arg7[%get3A_64] {strides = array<i32>} : memref<6144xf32, #tpu.memory_space<vmem>>, vector<16xf32>,
      %sub3A_66 = arith.subf %get3A_61, %get3A_65 : vector<16xf32>
      %add3A_67 = arith.constant 0 : i32
      %add3A_68 = arith.addi %add3A_67, %add3A_58 : i32
      %swap3A_69 = arith.index_cast %add3A_68 : i32 to index
      %swap3A_70 = tpu.vector_load %arg9[%swap3A_69] {strides = array<i32>} : memref<6144xf32, #tpu.memory_space<vmem>>, vector<16xf32>,
      tpu.vector_store %arg9[%swap3A_69], %sub3A_66 {strides = array<i32>} : memref<6144xf32, #tpu.memory_space<vmem>>, vector<16xf32>,
      %add3A_71 = arith.constant 2048 : i32
      %add3A_72 = arith.addi %add3A_71, %add3A_58 : i32
      %get3A_73 = arith.index_cast %add3A_72 : i32 to index
      %get3A_74 = tpu.vector_load %arg8[%get3A_73] {strides = array<i32>} : memref<6144xf32, #tpu.memory_space<vmem>>, vector<16xf32>,
      %add3A_75 = arith.constant 2048 : i32
      %add3A_76 = arith.addi %add3A_75, %add3A_58 : i32
      %get3A_77 = arith.index_cast %add3A_76 : i32 to index
      %get3A_78 = tpu.vector_load %arg7[%get3A_77] {strides = array<i32>} : memref<6144xf32, #tpu.memory_space<vmem>>, vector<16xf32>,
      %sub3A_79 = arith.subf %get3A_74, %get3A_78 : vector<16xf32>
      %add3A_80 = arith.constant 2048 : i32
      %add3A_81 = arith.addi %add3A_80, %add3A_58 : i32
      %swap3A_82 = arith.index_cast %add3A_81 : i32 to index
      %swap3A_83 = tpu.vector_load %arg9[%swap3A_82] {strides = array<i32>} : memref<6144xf32, #tpu.memory_space<vmem>>, vector<16xf32>,
      tpu.vector_store %arg9[%swap3A_82], %sub3A_79 {strides = array<i32>} : memref<6144xf32, #tpu.memory_space<vmem>>, vector<16xf32>,
      %add3A_84 = arith.constant 4096 : i32
      %add3A_85 = arith.addi %add3A_84, %add3A_58 : i32
      %get3A_86 = arith.index_cast %add3A_85 : i32 to index
      %get3A_87 = tpu.vector_load %arg8[%get3A_86] {strides = array<i32>} : memref<6144xf32, #tpu.memory_space<vmem>>, vector<16xf32>,
      %add3A_88 = arith.constant 4096 : i32
      %add3A_89 = arith.addi %add3A_88, %add3A_58 : i32
      %get3A_90 = arith.index_cast %add3A_89 : i32 to index
      %get3A_91 = tpu.vector_load %arg7[%get3A_90] {strides = array<i32>} : memref<6144xf32, #tpu.memory_space<vmem>>, vector<16xf32>,
      %sub3A_92 = arith.subf %get3A_87, %get3A_91 : vector<16xf32>
      %add3A_93 = arith.constant 4096 : i32
      %add3A_94 = arith.addi %add3A_93, %add3A_58 : i32
      %swap3A_95 = arith.index_cast %add3A_94 : i32 to index
      %swap3A_96 = tpu.vector_load %arg9[%swap3A_95] {strides = array<i32>} : memref<6144xf32, #tpu.memory_space<vmem>>, vector<16xf32>,
      tpu.vector_store %arg9[%swap3A_95], %sub3A_92 {strides = array<i32>} : memref<6144xf32, #tpu.memory_space<vmem>>, vector<16xf32>,
    }
    %scan3A_43 = arith.constant 16 : i32
    %broadcast_in_dim3A = arith.constant 0.000000e+00 : f32
    %broadcast_in_dim3A_44 = vector.broadcast %broadcast_in_dim3A : f32 to vector<16xf32>
    %scan3A_45 = arith.constant 0 : i32
    %scan3A_46 = arith.constant 256 : i32
    %scan3A_47 = arith.addi %scan3A_45, %scan3A_46 : i32
    %scan3A_48 = arith.constant 1 : i32
    %scan3A_49 = scf.for %scan3A_55 = %scan3A_45 to %scan3A_47 step %scan3A_48 iter_args(%scan3A_56 = %broadcast_in_dim3A_44) -> (vector<16xf32>)  : i32 {
      %mul3A_57 = arith.constant 16 : i32
      %mul3A_58 = arith.muli %scan3A_55, %mul3A_57 : i32
      %get3A = arith.index_cast %mul3A_58 : i32 to index
      %get3A_59 = tpu.vector_load %arg10[%get3A] {strides = array<i32>} : memref<4096xi32, #tpu.memory_space<vmem>>, vector<16xi32>,
      %mul3A_60 = arith.constant 16 : i32
      %mul3A_61 = arith.muli %scan3A_55, %mul3A_60 : i32
      %get3A_62 = arith.index_cast %mul3A_61 : i32 to index
      %get3A_63 = tpu.vector_load %arg11[%get3A_62] {strides = array<i32>} : memref<4096xi32, #tpu.memory_space<vmem>>, vector<16xi32>,
      %add3A_64 = arith.addi %mul3A_32, %scan3A_55 : i32
      %broadcast_in_dim3A_65 = vector.broadcast %add3A_64 : i32 to vector<16xi32>
      %add3A_66 = arith.constant 0 : i32
      %add3A_67 = vector.broadcast %add3A_66 : i32 to vector<16xi32>
      %add3A_68 = arith.addi %get3A_59, %add3A_67 : vector<16xi32>
      %gather3A = tpu.vector_load_idx %arg7[%add3A_68] : memref<6144xf32, #tpu.memory_space<vmem>>[vector<16xi32>], vector<16xf32>,
      %add3A_69 = arith.constant 0 : i32
      %add3A_70 = vector.broadcast %add3A_69 : i32 to vector<16xi32>
      %add3A_71 = arith.addi %get3A_63, %add3A_70 : vector<16xi32>
      %gather3A_72 = tpu.vector_load_idx %arg8[%add3A_71] : memref<6144xf32, #tpu.memory_space<vmem>>[vector<16xi32>], vector<16xf32>,
      %add3A_73 = arith.constant 0 : i32
      %add3A_74 = vector.broadcast %add3A_73 : i32 to vector<16xi32>
      %add3A_75 = arith.addi %broadcast_in_dim3A_65, %add3A_74 : vector<16xi32>
      %gather3A_76 = tpu.vector_load_idx %arg9[%add3A_75] : memref<6144xf32, #tpu.memory_space<vmem>>[vector<16xi32>], vector<16xf32>,
      %sub3A_77 = arith.subf %gather3A_72, %gather3A : vector<16xf32>
      %sub3A_78 = arith.subf %sub3A_77, %gather3A_76 : vector<16xf32>
      %mul3A_79 = arith.mulf %sub3A_78, %sub3A_78 : vector<16xf32>
      %add3A_80 = arith.addf %scan3A_56, %mul3A_79 : vector<16xf32>
      %add3A_81 = arith.constant 2048 : i32
      %add3A_82 = vector.broadcast %add3A_81 : i32 to vector<16xi32>
      %add3A_83 = arith.addi %get3A_59, %add3A_82 : vector<16xi32>
      %gather3A_84 = tpu.vector_load_idx %arg7[%add3A_83] : memref<6144xf32, #tpu.memory_space<vmem>>[vector<16xi32>], vector<16xf32>,
      %add3A_85 = arith.constant 2048 : i32
      %add3A_86 = vector.broadcast %add3A_85 : i32 to vector<16xi32>
      %add3A_87 = arith.addi %get3A_63, %add3A_86 : vector<16xi32>
      %gather3A_88 = tpu.vector_load_idx %arg8[%add3A_87] : memref<6144xf32, #tpu.memory_space<vmem>>[vector<16xi32>], vector<16xf32>,
      %add3A_89 = arith.constant 2048 : i32
      %add3A_90 = vector.broadcast %add3A_89 : i32 to vector<16xi32>
      %add3A_91 = arith.addi %broadcast_in_dim3A_65, %add3A_90 : vector<16xi32>
      %gather3A_92 = tpu.vector_load_idx %arg9[%add3A_91] : memref<6144xf32, #tpu.memory_space<vmem>>[vector<16xi32>], vector<16xf32>,
      %sub3A_93 = arith.subf %gather3A_88, %gather3A_84 : vector<16xf32>
      %sub3A_94 = arith.subf %sub3A_93, %gather3A_92 : vector<16xf32>
      %mul3A_95 = arith.mulf %sub3A_94, %sub3A_94 : vector<16xf32>
      %add3A_96 = arith.addf %add3A_80, %mul3A_95 : vector<16xf32>
      %add3A_97 = arith.constant 4096 : i32
      %add3A_98 = vector.broadcast %add3A_97 : i32 to vector<16xi32>
      %add3A_99 = arith.addi %get3A_59, %add3A_98 : vector<16xi32>
      %gather3A_100 = tpu.vector_load_idx %arg7[%add3A_99] : memref<6144xf32, #tpu.memory_space<vmem>>[vector<16xi32>], vector<16xf32>,
      %add3A_101 = arith.constant 4096 : i32
      %add3A_102 = vector.broadcast %add3A_101 : i32 to vector<16xi32>
      %add3A_103 = arith.addi %get3A_63, %add3A_102 : vector<16xi32>
      %gather3A_104 = tpu.vector_load_idx %arg8[%add3A_103] : memref<6144xf32, #tpu.memory_space<vmem>>[vector<16xi32>], vector<16xf32>,
      %add3A_105 = arith.constant 4096 : i32
      %add3A_106 = vector.broadcast %add3A_105 : i32 to vector<16xi32>
      %add3A_107 = arith.addi %broadcast_in_dim3A_65, %add3A_106 : vector<16xi32>
      %gather3A_108 = tpu.vector_load_idx %arg9[%add3A_107] : memref<6144xf32, #tpu.memory_space<vmem>>[vector<16xi32>], vector<16xf32>,
      %sub3A_109 = arith.subf %gather3A_104, %gather3A_100 : vector<16xf32>
      %sub3A_110 = arith.subf %sub3A_109, %gather3A_108 : vector<16xf32>
      %mul3A_111 = arith.mulf %sub3A_110, %sub3A_110 : vector<16xf32>
      %add3A_112 = arith.addf %add3A_96, %mul3A_111 : vector<16xf32>
      scf.yield %add3A_112 : vector<16xf32>
    }
    %scan3A_50 = arith.constant 256 : i32
    %swap3A = arith.constant 0 : index
    %swap3A_51 = tpu.vector_load %arg12[%swap3A] {strides = array<i32>} : memref<16xf32, #tpu.memory_space<vmem>>, vector<16xf32>,
    tpu.vector_store %arg12[%swap3A], %scan3A_49 {strides = array<i32>} : memref<16xf32, #tpu.memory_space<vmem>>, vector<16xf32>,
    "tpu.region"() ({
      %run_scoped3A = tpu.sem_alloc : memref<!tpu.dma_semaphore, #tpu.memory_space<semaphore_mem>>
      %dma_start3A = arith.constant 0 : i32
      %dma_start3A_55 = tpu.memref_slice %arg13[%arg1, %dma_start3A] : memref<16x16xf32, #tpu.memory_space<vmem_shared>> -> memref<1x16xf32, #tpu.memory_space<vmem_shared>>
      %dma_start3A_56 = tpu.memref_squeeze %dma_start3A_55 : memref<1x16xf32, #tpu.memory_space<vmem_shared>> -> memref<16xf32, #tpu.memory_space<vmem_shared>>
      %dma_start3A_57 = arith.constant 0 : i32
      %dma_start3A_58 = tpu.memref_slice %arg13[%arg1, %dma_start3A_57] : memref<16x16xf32, #tpu.memory_space<vmem_shared>> -> memref<1x16xf32, #tpu.memory_space<vmem_shared>>
      %dma_start3A_59 = tpu.memref_squeeze %dma_start3A_58 : memref<1x16xf32, #tpu.memory_space<vmem_shared>> -> memref<16xf32, #tpu.memory_space<vmem_shared>>
      tpu.enqueue_dma source(%arg12 : memref<16xf32, #tpu.memory_space<vmem>>) target(%dma_start3A_59 : memref<16xf32, #tpu.memory_space<vmem_shared>>) target_semaphore(%run_scoped3A : memref<!tpu.dma_semaphore, #tpu.memory_space<semaphore_mem>>)
      %dma_wait3A = arith.constant 0 : i32
      %dma_wait3A_60 = tpu.memref_slice %arg13[%arg1, %dma_wait3A] : memref<16x16xf32, #tpu.memory_space<vmem_shared>> -> memref<1x16xf32, #tpu.memory_space<vmem_shared>>
      %dma_wait3A_61 = tpu.memref_squeeze %dma_wait3A_60 : memref<1x16xf32, #tpu.memory_space<vmem_shared>> -> memref<16xf32, #tpu.memory_space<vmem_shared>>
      %dma_wait3A_62 = arith.constant 0 : i32
      %dma_wait3A_63 = tpu.memref_slice %arg13[%arg1, %dma_wait3A_62] : memref<16x16xf32, #tpu.memory_space<vmem_shared>> -> memref<1x16xf32, #tpu.memory_space<vmem_shared>>
      %dma_wait3A_64 = tpu.memref_squeeze %dma_wait3A_63 : memref<1x16xf32, #tpu.memory_space<vmem_shared>> -> memref<16xf32, #tpu.memory_space<vmem_shared>>
      tpu.wait_dma2 semaphore(%run_scoped3A : memref<!tpu.dma_semaphore, #tpu.memory_space<semaphore_mem>>) src(%arg12 : memref<16xf32, #tpu.memory_space<vmem>>) dst(%dma_wait3A_64 : memref<16xf32, #tpu.memory_space<vmem_shared>>)
      tpu.yield
    }) : () -> ()
    %barrier3A = arith.constant 0 : index
    tpu.barrier barrier_id(%barrier3A)
    %eq3A_52 = arith.constant 0 : i32
    %eq3A_53 = arith.cmpi eq, %arg1, %eq3A_52 : i32
    %convert_element_type3A = arith.extui %eq3A_53 : i1 to i32
    %cond3A = arith.constant 0 : i32
    %cond3A_54 = arith.cmpi ne, %convert_element_type3A, %cond3A : i32
    scf.if %cond3A_54 {
      "tpu.region"() ({
        %run_scoped3A = tpu.sem_alloc : memref<!tpu.dma_semaphore, #tpu.memory_space<semaphore_mem>>
        tpu.enqueue_dma source(%arg13 : memref<16x16xf32, #tpu.memory_space<vmem_shared>>) target(%arg14 : memref<16x16xf32, #tpu.memory_space<vmem>>) target_semaphore(%run_scoped3A : memref<!tpu.dma_semaphore, #tpu.memory_space<semaphore_mem>>)
        tpu.wait_dma2 semaphore(%run_scoped3A : memref<!tpu.dma_semaphore, #tpu.memory_space<semaphore_mem>>) src(%arg13 : memref<16x16xf32, #tpu.memory_space<vmem_shared>>) dst(%arg14 : memref<16x16xf32, #tpu.memory_space<vmem>>)
        tpu.yield
      }) : () -> ()
      "tpu.region"() ({
        %run_scoped3A = tpu.sem_alloc : memref<!tpu.dma_semaphore, #tpu.memory_space<semaphore_mem>>
        tpu.enqueue_dma source(%arg5 : memref<16xf32, #tpu.memory_space<hbm>>) target(%arg15 : memref<16xf32, #tpu.memory_space<vmem>>) target_semaphore(%run_scoped3A : memref<!tpu.dma_semaphore, #tpu.memory_space<semaphore_mem>>)
        tpu.wait_dma2 semaphore(%run_scoped3A : memref<!tpu.dma_semaphore, #tpu.memory_space<semaphore_mem>>) src(%arg5 : memref<16xf32, #tpu.memory_space<hbm>>) dst(%arg15 : memref<16xf32, #tpu.memory_space<vmem>>)
        tpu.yield
      }) : () -> ()
      %broadcast_in_dim3A_55 = arith.constant 0.000000e+00 : f32
      %broadcast_in_dim3A_56 = vector.broadcast %broadcast_in_dim3A_55 : f32 to vector<16xf32>
      %scan3A_57 = arith.constant 0 : i32
      %scan3A_58 = arith.constant 16 : i32
      %scan3A_59 = arith.addi %scan3A_57, %scan3A_58 : i32
      %scan3A_60 = arith.constant 1 : i32
      %scan3A_61 = scf.for %scan3A_112 = %scan3A_57 to %scan3A_59 step %scan3A_60 iter_args(%scan3A_113 = %broadcast_in_dim3A_56) -> (vector<16xf32>)  : i32 {
        %get3A_114 = arith.index_cast %scan3A_112 : i32 to index
        %get3A_115 = arith.constant 0 : index
        %get3A_116 = tpu.vector_load %arg14[%get3A_114, %get3A_115] {strides = array<i32>} : memref<16x16xf32, #tpu.memory_space<vmem>>, vector<16xf32>,
        %add3A_117 = arith.addf %scan3A_113, %get3A_116 : vector<16xf32>
        scf.yield %add3A_117 : vector<16xf32>
      }
      %scan3A_62 = arith.constant 16 : i32
      %reduce_sum3A = arith.constant true
      %reduce_sum3A_63 = vector.broadcast %reduce_sum3A : i1 to vector<16xi1>
      %reduce_sum3A_64 = tpu.scan <sum>, %scan3A_61 masked %reduce_sum3A_63 : vector<16xf32>, vector<16xi1> -> vector<16xf32>
      %reduce_sum3A_65 = vector.extract %reduce_sum3A_64[15] : f32 from vector<16xf32>
      %mul3A_66 = arith.constant 1.27156579E-6 : f32
      %mul3A_67 = arith.mulf %reduce_sum3A_65, %mul3A_66 : f32
      %get3A = arith.constant 0 : index
      %get3A_68 = tpu.vector_load %arg15[%get3A] {strides = array<i32>} : memref<16xf32, #tpu.memory_space<vmem>>, vector<16xf32>,
      %iota3A = tpu.iota {dimensions = array<i32: 0>} : vector<16xi32>
      %broadcast_in_dim3A_69 = arith.constant 0.000000e+00 : f32
      %broadcast_in_dim3A_70 = vector.broadcast %broadcast_in_dim3A_69 : f32 to vector<16xf32>
      %eq3A_71 = arith.constant 0 : i32
      %eq3A_72 = vector.broadcast %eq3A_71 : i32 to vector<16xi32>
      %eq3A_73 = arith.cmpi eq, %iota3A, %eq3A_72 : vector<16xi32>
      %select_n3A_74 = arith.select %eq3A_73, %get3A_68, %broadcast_in_dim3A_70 : vector<16xi1>, vector<16xf32>
      %reduce_sum3A_75 = arith.constant true
      %reduce_sum3A_76 = vector.broadcast %reduce_sum3A_75 : i1 to vector<16xi1>
      %reduce_sum3A_77 = tpu.scan <sum>, %select_n3A_74 masked %reduce_sum3A_76 : vector<16xf32>, vector<16xi1> -> vector<16xf32>
      %reduce_sum3A_78 = vector.extract %reduce_sum3A_77[15] : f32 from vector<16xf32>
      %ge3A = arith.constant 1 : i32
      %ge3A_79 = vector.broadcast %ge3A : i32 to vector<16xi32>
      %ge3A_80 = arith.cmpi sge, %iota3A, %ge3A_79 : vector<16xi32>
      %lt3A_81 = arith.constant 5 : i32
      %lt3A_82 = vector.broadcast %lt3A_81 : i32 to vector<16xi32>
      %lt3A_83 = arith.cmpi slt, %iota3A, %lt3A_82 : vector<16xi32>
      %and3A_84 = arith.andi %ge3A_80, %lt3A_83 : vector<16xi1>
      %sub3A_85 = arith.constant 1.000000e+00 : f32
      %sub3A_86 = vector.broadcast %sub3A_85 : f32 to vector<16xf32>
      %sub3A_87 = arith.subf %get3A_68, %sub3A_86 : vector<16xf32>
      %sub3A_88 = arith.constant 1.000000e+00 : f32
      %sub3A_89 = vector.broadcast %sub3A_88 : f32 to vector<16xf32>
      %sub3A_90 = arith.subf %get3A_68, %sub3A_89 : vector<16xf32>
      %mul3A_91 = arith.mulf %sub3A_87, %sub3A_90 : vector<16xf32>
      %select_n3A_92 = arith.select %and3A_84, %mul3A_91, %broadcast_in_dim3A_70 : vector<16xi1>, vector<16xf32>
      %reduce_sum3A_93 = arith.constant true
      %reduce_sum3A_94 = vector.broadcast %reduce_sum3A_93 : i1 to vector<16xi1>
      %reduce_sum3A_95 = tpu.scan <sum>, %select_n3A_92 masked %reduce_sum3A_94 : vector<16xf32>, vector<16xi1> -> vector<16xf32>
      %reduce_sum3A_96 = vector.extract %reduce_sum3A_95[15] : f32 from vector<16xf32>
      %mul3A_97 = arith.constant 2.500000e-02 : f32
      %mul3A_98 = arith.mulf %reduce_sum3A_96, %mul3A_97 : f32
      %eq3A_99 = arith.constant 0 : i32
      %eq3A_100 = arith.cmpi eq, %arg0, %eq3A_99 : i32
      %add3A_101 = arith.addf %reduce_sum3A_78, %mul3A_98 : f32
      %jit3A_102 = arith.constant 0.000000e+00 : f32
      %select_n3A_103 = arith.select %eq3A_100, %add3A_101, %jit3A_102 : f32
      %add3A_104 = arith.addf %mul3A_67, %select_n3A_103 : f32
      %eq3A_105 = arith.constant 0 : i32
      %eq3A_106 = vector.broadcast %eq3A_105 : i32 to vector<16xi32>
      %eq3A_107 = arith.cmpi eq, %iota3A, %eq3A_106 : vector<16xi32>
      %broadcast_in_dim3A_108 = vector.broadcast %add3A_104 : f32 to vector<16xf32>
      %select_n3A_109 = arith.select %eq3A_107, %broadcast_in_dim3A_108, %broadcast_in_dim3A_70 : vector<16xi1>, vector<16xf32>
      %swap3A_110 = arith.constant 0 : index
      %swap3A_111 = tpu.vector_load %arg12[%swap3A_110] {strides = array<i32>} : memref<16xf32, #tpu.memory_space<vmem>>, vector<16xf32>,
      tpu.vector_store %arg12[%swap3A_110], %select_n3A_109 {strides = array<i32>} : memref<16xf32, #tpu.memory_space<vmem>>, vector<16xf32>,
      "tpu.region"() ({
        %run_scoped3A = tpu.sem_alloc : memref<!tpu.dma_semaphore, #tpu.memory_space<semaphore_mem>>
        %dma_start3A = arith.constant 0 : i32
        %dma_start3A_112 = tpu.memref_slice %arg6[%arg0, %dma_start3A] : memref<2x16xf32, #tpu.memory_space<hbm>> -> memref<1x16xf32, #tpu.memory_space<hbm>>
        %dma_start3A_113 = tpu.memref_squeeze %dma_start3A_112 : memref<1x16xf32, #tpu.memory_space<hbm>> -> memref<16xf32, #tpu.memory_space<hbm>>
        %dma_start3A_114 = arith.constant 0 : i32
        %dma_start3A_115 = tpu.memref_slice %arg6[%arg0, %dma_start3A_114] : memref<2x16xf32, #tpu.memory_space<hbm>> -> memref<1x16xf32, #tpu.memory_space<hbm>>
        %dma_start3A_116 = tpu.memref_squeeze %dma_start3A_115 : memref<1x16xf32, #tpu.memory_space<hbm>> -> memref<16xf32, #tpu.memory_space<hbm>>
        tpu.enqueue_dma source(%arg12 : memref<16xf32, #tpu.memory_space<vmem>>) target(%dma_start3A_116 : memref<16xf32, #tpu.memory_space<hbm>>) target_semaphore(%run_scoped3A : memref<!tpu.dma_semaphore, #tpu.memory_space<semaphore_mem>>)
        %dma_wait3A = arith.constant 0 : i32
        %dma_wait3A_117 = tpu.memref_slice %arg6[%arg0, %dma_wait3A] : memref<2x16xf32, #tpu.memory_space<hbm>> -> memref<1x16xf32, #tpu.memory_space<hbm>>
        %dma_wait3A_118 = tpu.memref_squeeze %dma_wait3A_117 : memref<1x16xf32, #tpu.memory_space<hbm>> -> memref<16xf32, #tpu.memory_space<hbm>>
        %dma_wait3A_119 = arith.constant 0 : i32
        %dma_wait3A_120 = tpu.memref_slice %arg6[%arg0, %dma_wait3A_119] : memref<2x16xf32, #tpu.memory_space<hbm>> -> memref<1x16xf32, #tpu.memory_space<hbm>>
        %dma_wait3A_121 = tpu.memref_squeeze %dma_wait3A_120 : memref<1x16xf32, #tpu.memory_space<hbm>> -> memref<16xf32, #tpu.memory_space<hbm>>
        tpu.wait_dma2 semaphore(%run_scoped3A : memref<!tpu.dma_semaphore, #tpu.memory_space<semaphore_mem>>) src(%arg12 : memref<16xf32, #tpu.memory_space<vmem>>) dst(%dma_wait3A_121 : memref<16xf32, #tpu.memory_space<hbm>>)
        tpu.yield
      }) : () -> ()
    } else {
    }
    return
  }
}

module attributes {stable_mosaic.version = 14 : i64} {
  func.func @_pm_match_body(%arg0: i32, %arg1: i32, %arg2: memref<1x2048x3xf32, #tpu.memory_space<vmem>>, %arg3: memref<1x2048x3xf32, #tpu.memory_space<vmem>>, %arg4: memref<2xf32, #tpu.memory_space<smem>>, %arg5: memref<1x3x2048xf32, #tpu.memory_space<vmem>>, %arg6: memref<1x3x2048xf32, #tpu.memory_space<vmem>>, %arg7: memref<2048xi32, #tpu.memory_space<vmem>>) attributes {dimension_semantics = [#tpu.dimension_semantics<arbitrary>, #tpu.dimension_semantics<arbitrary>], iteration_bounds = array<i64: 4, 2>, scalar_prefetch = 0 : i64, scratch_operands = 1 : i64, tpu.core_type = #tpu.core_type<tc>, window_params = [{transform_indices = @transform_0, window_bounds = array<i64: 1, 2048, 3>}, {transform_indices = @transform_1, window_bounds = array<i64: 1, 2048, 3>}, {transform_indices = @transform_2, window_bounds = array<i64: 2>}, {transform_indices = @transform_3, window_bounds = array<i64: 1, 3, 2048>}, {transform_indices = @transform_4, window_bounds = array<i64: 1, 3, 2048>}]} {
    %get3A = arith.constant 0 : index
    %get3A_0 = arith.constant 0 : index
    %get3A_1 = arith.constant 0 : index
    %get3A_2 = vector.load %arg2[%get3A, %get3A_0, %get3A_1] : memref<1x2048x3xf32, #tpu.memory_space<vmem>>, vector<1x2048x3xf32>
    %get3A_3 = vector.shape_cast %get3A_2 : vector<1x2048x3xf32> to vector<2048x3xf32>
    %eq3A = arith.constant 0 : i32
    %eq3A_4 = arith.cmpi eq, %arg1, %eq3A : i32
    %convert_element_type3A = arith.extui %eq3A_4 : i1 to i32
    %cond3A = arith.constant 0 : i32
    %cond3A_5 = arith.cmpi ne, %convert_element_type3A, %cond3A : i32
    scf.if %cond3A_5 {
      %get3A_93 = arith.constant 0 : index
      %get3A_94 = arith.constant 0 : index
      %get3A_95 = arith.constant 0 : index
      %get3A_96 = vector.load %arg3[%get3A_93, %get3A_94, %get3A_95] : memref<1x2048x3xf32, #tpu.memory_space<vmem>>, vector<1x2048x3xf32>
      %get3A_97 = vector.shape_cast %get3A_96 : vector<1x2048x3xf32> to vector<2048x3xf32>
      %transpose3A = tpu.transpose %get3A_97, [1, 0] : vector<2048x3xf32> -> vector<3x2048xf32>
      %swap3A_98 = arith.constant 0 : index
      %swap3A_99 = arith.constant 0 : index
      %swap3A_100 = arith.constant 0 : index
      %swap3A_101 = vector.load %arg6[%swap3A_98, %swap3A_99, %swap3A_100] : memref<1x3x2048xf32, #tpu.memory_space<vmem>>, vector<1x3x2048xf32>
      %swap3A_102 = vector.shape_cast %swap3A_101 : vector<1x3x2048xf32> to vector<3x2048xf32>
      %swap3A_103 = vector.shape_cast %transpose3A : vector<3x2048xf32> to vector<1x3x2048xf32>
      tpu.vector_store %arg6[%swap3A_98, %swap3A_99, %swap3A_100], %swap3A_103 {strides = array<i32>} : memref<1x3x2048xf32, #tpu.memory_space<vmem>>, vector<1x3x2048xf32>,
    } else {
    }
    %get3A_6 = arith.constant 0 : index
    %get3A_7 = arith.constant 0 : index
    %get3A_8 = arith.constant 0 : index
    %get3A_9 = vector.load %arg6[%get3A_6, %get3A_7, %get3A_8] : memref<1x3x2048xf32, #tpu.memory_space<vmem>>, vector<1x3x2048xf32>
    %get3A_10 = vector.shape_cast %get3A_9 : vector<1x3x2048xf32> to vector<3x2048xf32>
    %mul3A = arith.mulf %get3A_3, %get3A_3 : vector<2048x3xf32>
    %reduce_sum3A = arith.constant dense<0.000000e+00> : vector<2048xf32>
    %reduce_sum3A_11 = vector.multi_reduction <add>, %mul3A, %reduce_sum3A [1] : vector<2048x3xf32> to vector<2048xf32>
    %mul3A_12 = arith.mulf %get3A_10, %get3A_10 : vector<3x2048xf32>
    %reduce_sum3A_13 = arith.constant dense<0.000000e+00> : vector<2048xf32>
    %reduce_sum3A_14 = vector.multi_reduction <add>, %mul3A_12, %reduce_sum3A_13 [0] : vector<3x2048xf32> to vector<2048xf32>
    %dot_general3A = arith.constant dense<0.000000e+00> : vector<2048x2048xf32>
    %dot_general3A_15 = tpu.matmul %get3A_3, %get3A_10, %dot_general3A {dimension_numbers = #tpu.dot_dimension_numbers<[1], [0], [0], [1], [0, 0, 1, 1], [], []>, transpose_lhs_hint = false} : vector<2048x3xf32>, vector<3x2048xf32>, vector<2048x2048xf32> -> vector<2048x2048xf32>
    %broadcast_in_dim3A = vector.shape_cast %reduce_sum3A_11 : vector<2048xf32> to vector<2048x1xf32>
    %broadcast_in_dim3A_16 = vector.shape_cast %reduce_sum3A_14 : vector<2048xf32> to vector<1x2048xf32>
    %add3A = vector.broadcast %broadcast_in_dim3A : vector<2048x1xf32> to vector<2048x2048xf32>
    %add3A_17 = vector.broadcast %broadcast_in_dim3A_16 : vector<1x2048xf32> to vector<2048x2048xf32>
    %add3A_18 = arith.addf %add3A, %add3A_17 : vector<2048x2048xf32>
    %mul3A_19 = arith.constant 2.000000e+00 : f32
    %mul3A_20 = vector.broadcast %mul3A_19 : f32 to vector<2048x2048xf32>
    %mul3A_21 = arith.mulf %mul3A_20, %dot_general3A_15 : vector<2048x2048xf32>
    %sub3A = arith.subf %add3A_18, %mul3A_21 : vector<2048x2048xf32>
    %reduce_min3A = arith.constant dense<0x7F800000> : vector<2048xf32>
    %reduce_min3A_22 = vector.multi_reduction <minimumf>, %sub3A, %reduce_min3A [1] : vector<2048x2048xf32> to vector<2048xf32>
    %lt3A = arith.constant 5.000000e-02 : f32
    %lt3A_23 = vector.broadcast %lt3A : f32 to vector<2048xf32>
    %lt3A_24 = arith.cmpf olt, %reduce_min3A_22, %lt3A_23 : vector<2048xf32>
    %convert_element_type3A_25 = arith.extui %lt3A_24 : vector<2048xi1> to vector<2048xi32>
    %convert_element_type3A_26 = arith.sitofp %convert_element_type3A_25 : vector<2048xi32> to vector<2048xf32>
    %eq3A_27 = arith.constant 0 : i32
    %eq3A_28 = arith.cmpi eq, %arg0, %eq3A_27 : i32
    %eq3A_29 = arith.constant 0 : i32
    %eq3A_30 = arith.cmpi eq, %arg1, %eq3A_29 : i32
    %and3A = arith.andi %eq3A_28, %eq3A_30 : i1
    %convert_element_type3A_31 = arith.extui %and3A : i1 to i32
    %cond3A_32 = arith.constant 0 : i32
    %cond3A_33 = arith.cmpi ne, %convert_element_type3A_31, %cond3A_32 : i32
    scf.if %cond3A_33 {
      %swap3A_93 = arith.constant 0.000000e+00 : f32
      %swap3A_94 = arith.constant 0 : index
      %swap3A_95 = memref.load %arg4[%swap3A_94] : memref<2xf32, #tpu.memory_space<smem>>
      memref.store %swap3A_93, %arg4[%swap3A_94] : memref<2xf32, #tpu.memory_space<smem>>
      %swap3A_96 = arith.constant 0.000000e+00 : f32
      %swap3A_97 = arith.constant 1 : index
      %swap3A_98 = memref.load %arg4[%swap3A_97] : memref<2xf32, #tpu.memory_space<smem>>
      memref.store %swap3A_96, %arg4[%swap3A_97] : memref<2xf32, #tpu.memory_space<smem>>
    } else {
    }
    %get3A_34 = arith.constant 0 : index
    %get3A_35 = memref.load %arg4[%get3A_34] : memref<2xf32, #tpu.memory_space<smem>>
    %mul3A_36 = arith.mulf %reduce_min3A_22, %convert_element_type3A_26 : vector<2048xf32>
    %reduce_sum3A_37 = vector.shape_cast %mul3A_36 : vector<2048xf32> to vector<1x2048xf32>
    %reduce_sum3A_38 = arith.constant dense<0.000000e+00> : vector<1xf32>
    %reduce_sum3A_39 = vector.multi_reduction <add>, %reduce_sum3A_37, %reduce_sum3A_38 [1] : vector<1x2048xf32> to vector<1xf32>
    %reduce_sum3A_40 = vector.shape_cast %reduce_sum3A_39 : vector<1xf32> to vector<1x1xf32>
    %reduce_sum3A_41 = vector.extract %reduce_sum3A_40[0, 0] : f32 from vector<1x1xf32>
    %add3A_42 = arith.addf %get3A_35, %reduce_sum3A_41 : f32
    %swap3A = arith.constant 0 : index
    %swap3A_43 = memref.load %arg4[%swap3A] : memref<2xf32, #tpu.memory_space<smem>>
    memref.store %add3A_42, %arg4[%swap3A] : memref<2xf32, #tpu.memory_space<smem>>
    %get3A_44 = arith.constant 1 : index
    %get3A_45 = memref.load %arg4[%get3A_44] : memref<2xf32, #tpu.memory_space<smem>>
    %reduce_sum3A_46 = vector.shape_cast %convert_element_type3A_26 : vector<2048xf32> to vector<1x2048xf32>
    %reduce_sum3A_47 = arith.constant dense<0.000000e+00> : vector<1xf32>
    %reduce_sum3A_48 = vector.multi_reduction <add>, %reduce_sum3A_46, %reduce_sum3A_47 [1] : vector<1x2048xf32> to vector<1xf32>
    %reduce_sum3A_49 = vector.shape_cast %reduce_sum3A_48 : vector<1xf32> to vector<1x1xf32>
    %reduce_sum3A_50 = vector.extract %reduce_sum3A_49[0, 0] : f32 from vector<1x1xf32>
    %add3A_51 = arith.addf %get3A_45, %reduce_sum3A_50 : f32
    %swap3A_52 = arith.constant 1 : index
    %swap3A_53 = memref.load %arg4[%swap3A_52] : memref<2xf32, #tpu.memory_space<smem>>
    memref.store %add3A_51, %arg4[%swap3A_52] : memref<2xf32, #tpu.memory_space<smem>>
    %iota3A = tpu.iota {dimensions = array<i32: 0>} : vector<2048x2048xi32>
    %bitcast_convert_type3A = tpu.bitcast %sub3A : vector<2048x2048xf32> -> vector<2048x2048xi32>
    %and3A_54 = arith.constant -2048 : i32
    %and3A_55 = vector.broadcast %and3A_54 : i32 to vector<2048x2048xi32>
    %and3A_56 = arith.andi %bitcast_convert_type3A, %and3A_55 : vector<2048x2048xi32>
    %or3A = arith.ori %and3A_56, %iota3A : vector<2048x2048xi32>
    %reduce_min3A_57 = arith.constant dense<2147483647> : vector<2048xi32>
    %reduce_min3A_58 = vector.multi_reduction <minsi>, %or3A, %reduce_min3A_57 [0] : vector<2048x2048xi32> to vector<2048xi32>
    %broadcast_in_dim3A_59 = vector.shape_cast %reduce_min3A_58 : vector<2048xi32> to vector<1x2048xi32>
    %eq3A_60 = vector.broadcast %broadcast_in_dim3A_59 : vector<1x2048xi32> to vector<2048x2048xi32>
    %eq3A_61 = arith.cmpi eq, %or3A, %eq3A_60 : vector<2048x2048xi32>
    %convert_element_type3A_62 = arith.extui %eq3A_61 : vector<2048x2048xi1> to vector<2048x2048xi32>
    %convert_element_type3A_63 = arith.sitofp %convert_element_type3A_62 : vector<2048x2048xi32> to vector<2048x2048xf32>
    %dot_general3A_64 = arith.constant dense<0.000000e+00> : vector<3x2048xf32>
    %dot_general3A_65 = tpu.matmul %get3A_3, %convert_element_type3A_63, %dot_general3A_64 {dimension_numbers = #tpu.dot_dimension_numbers<[0], [0], [1], [1], [0, 1, 1, 1], [], []>, transpose_lhs_hint = false} : vector<2048x3xf32>, vector<2048x2048xf32>, vector<3x2048xf32> -> vector<3x2048xf32>
    %eq3A_66 = arith.constant 0 : i32
    %eq3A_67 = arith.cmpi eq, %arg1, %eq3A_66 : i32
    %convert_element_type3A_68 = arith.extui %eq3A_67 : i1 to i32
    %cond3A_69 = arith.constant 0 : i32
    %cond3A_70 = arith.cmpi ne, %convert_element_type3A_68, %cond3A_69 : i32
    scf.if %cond3A_70 {
      %broadcast_in_dim3A_93 = arith.constant 2147483647 : i32
      %broadcast_in_dim3A_94 = vector.broadcast %broadcast_in_dim3A_93 : i32 to vector<2048xi32>
      %swap3A_95 = arith.constant 0 : index
      %swap3A_96 = vector.load %arg7[%swap3A_95] : memref<2048xi32, #tpu.memory_space<vmem>>, vector<2048xi32>
      tpu.vector_store %arg7[%swap3A_95], %broadcast_in_dim3A_94 {strides = array<i32>} : memref<2048xi32, #tpu.memory_space<vmem>>, vector<2048xi32>,
    } else {
    }
    %get3A_71 = arith.constant 0 : index
    %get3A_72 = vector.load %arg7[%get3A_71] : memref<2048xi32, #tpu.memory_space<vmem>>, vector<2048xi32>
    %lt3A_73 = arith.cmpi slt, %reduce_min3A_58, %get3A_72 : vector<2048xi32>
    %get3A_74 = arith.constant 0 : index
    %get3A_75 = vector.load %arg7[%get3A_74] : memref<2048xi32, #tpu.memory_space<vmem>>, vector<2048xi32>
    %select_n3A = arith.select %lt3A_73, %reduce_min3A_58, %get3A_75 : vector<2048xi1>, vector<2048xi32>
    %swap3A_76 = arith.constant 0 : index
    %swap3A_77 = vector.load %arg7[%swap3A_76] : memref<2048xi32, #tpu.memory_space<vmem>>, vector<2048xi32>
    tpu.vector_store %arg7[%swap3A_76], %select_n3A {strides = array<i32>} : memref<2048xi32, #tpu.memory_space<vmem>>, vector<2048xi32>,
    %broadcast_in_dim3A_78 = vector.shape_cast %lt3A_73 : vector<2048xi1> to vector<1x2048xi1>
    %get3A_79 = arith.constant 0 : index
    %get3A_80 = arith.constant 0 : index
    %get3A_81 = arith.constant 0 : index
    %get3A_82 = vector.load %arg5[%get3A_79, %get3A_80, %get3A_81] : memref<1x3x2048xf32, #tpu.memory_space<vmem>>, vector<1x3x2048xf32>
    %get3A_83 = vector.shape_cast %get3A_82 : vector<1x3x2048xf32> to vector<3x2048xf32>
    %broadcast_in_dim3A_84 = vector.shape_cast %broadcast_in_dim3A_78 : vector<1x2048xi1> to vector<1x2048xi1>
    %broadcast_in_dim3A_85 = vector.broadcast %broadcast_in_dim3A_84 : vector<1x2048xi1> to vector<3x2048xi1>
    %select_n3A_86 = arith.select %broadcast_in_dim3A_85, %dot_general3A_65, %get3A_83 : vector<3x2048xi1>, vector<3x2048xf32>
    %swap3A_87 = arith.constant 0 : index
    %swap3A_88 = arith.constant 0 : index
    %swap3A_89 = arith.constant 0 : index
    %swap3A_90 = vector.load %arg5[%swap3A_87, %swap3A_88, %swap3A_89] : memref<1x3x2048xf32, #tpu.memory_space<vmem>>, vector<1x3x2048xf32>
    %swap3A_91 = vector.shape_cast %swap3A_90 : vector<1x3x2048xf32> to vector<3x2048xf32>
    %swap3A_92 = vector.shape_cast %select_n3A_86 : vector<3x2048xf32> to vector<1x3x2048xf32>
    tpu.vector_store %arg5[%swap3A_87, %swap3A_88, %swap3A_89], %swap3A_92 {strides = array<i32>} : memref<1x3x2048xf32, #tpu.memory_space<vmem>>, vector<1x3x2048xf32>,
    return
  }
  func.func @transform_0(%arg0: i32, %arg1: i32) -> (i32, i32, i32) {
    %c0_i32 = arith.constant 0 : i32
    %c0_i32_0 = arith.constant 0 : i32
    return %arg0, %arg1, %c0_i32 : i32, i32, i32
  }
  func.func @transform_1(%arg0: i32, %arg1: i32) -> (i32, i32, i32) {
    %c0_i32 = arith.constant 0 : i32
    %c0_i32_0 = arith.constant 0 : i32
    %c0_i32_1 = arith.constant 0 : i32
    return %arg0, %c0_i32, %c0_i32_0 : i32, i32, i32
  }
  func.func @transform_2(%arg0: i32, %arg1: i32) -> i32 {
    %c0_i32 = arith.constant 0 : i32
    %c0_i32_0 = arith.constant 0 : i32
    return %c0_i32 : i32
  }
  func.func @transform_3(%arg0: i32, %arg1: i32) -> (i32, i32, i32) {
    %c0_i32 = arith.constant 0 : i32
    %c0_i32_0 = arith.constant 0 : i32
    %c0_i32_1 = arith.constant 0 : i32
    return %arg0, %c0_i32, %c0_i32_0 : i32, i32, i32
  }
  func.func @transform_4(%arg0: i32, %arg1: i32) -> (i32, i32, i32) {
    %c0_i32 = arith.constant 0 : i32
    %c0_i32_0 = arith.constant 0 : i32
    %c0_i32_1 = arith.constant 0 : i32
    return %arg0, %c0_i32, %c0_i32_0 : i32, i32, i32
  }
}

module attributes {stable_mosaic.version = 14 : i64} {
  func.func @_knn16_body(%arg0: i32, %arg1: i32, %arg2: memref<1x3x512xf32, #tpu.memory_space<vmem>>, %arg3: memref<1x3x512xf32, #tpu.memory_space<vmem>>, %arg4: memref<1x3x2048xf32, #tpu.memory_space<vmem>>, %arg5: memref<1x3x2048xf32, #tpu.memory_space<vmem>>, %arg6: memref<1x512x16xi32, #tpu.memory_space<vmem>>) attributes {dimension_semantics = [#tpu.dimension_semantics<arbitrary>, #tpu.dimension_semantics<arbitrary>], iteration_bounds = array<i64: 8, 4>, scalar_prefetch = 0 : i64, scratch_operands = 0 : i64, tpu.core_type = #tpu.core_type<tc>, window_params = [{transform_indices = @transform_0, window_bounds = array<i64: 1, 3, 512>}, {transform_indices = @transform_1, window_bounds = array<i64: 1, 3, 512>}, {transform_indices = @transform_2, window_bounds = array<i64: 1, 3, 2048>}, {transform_indices = @transform_3, window_bounds = array<i64: 1, 3, 2048>}, {transform_indices = @transform_4, window_bounds = array<i64: 1, 512, 16>}]} {
    %lt3A = arith.constant 4 : i32
    %lt3A_0 = arith.cmpi slt, %arg0, %lt3A : i32
    %get3A = arith.constant 0 : index
    %get3A_1 = arith.constant 0 : index
    %get3A_2 = arith.constant 0 : index
    %get3A_3 = vector.load %arg2[%get3A, %get3A_1, %get3A_2] : memref<1x3x512xf32, #tpu.memory_space<vmem>>, vector<1x3x512xf32>
    %get3A_4 = vector.shape_cast %get3A_3 : vector<1x3x512xf32> to vector<3x512xf32>
    %get3A_5 = arith.constant 0 : index
    %get3A_6 = arith.constant 0 : index
    %get3A_7 = arith.constant 0 : index
    %get3A_8 = vector.load %arg3[%get3A_5, %get3A_6, %get3A_7] : memref<1x3x512xf32, #tpu.memory_space<vmem>>, vector<1x3x512xf32>
    %get3A_9 = vector.shape_cast %get3A_8 : vector<1x3x512xf32> to vector<3x512xf32>
    %select_n3A = arith.select %lt3A_0, %get3A_4, %get3A_9 : vector<3x512xf32>
    %get3A_10 = arith.constant 0 : index
    %get3A_11 = arith.constant 0 : index
    %get3A_12 = arith.constant 0 : index
    %get3A_13 = vector.load %arg4[%get3A_10, %get3A_11, %get3A_12] : memref<1x3x2048xf32, #tpu.memory_space<vmem>>, vector<1x3x2048xf32>
    %get3A_14 = vector.shape_cast %get3A_13 : vector<1x3x2048xf32> to vector<3x2048xf32>
    %get3A_15 = arith.constant 0 : index
    %get3A_16 = arith.constant 0 : index
    %get3A_17 = arith.constant 0 : index
    %get3A_18 = vector.load %arg5[%get3A_15, %get3A_16, %get3A_17] : memref<1x3x2048xf32, #tpu.memory_space<vmem>>, vector<1x3x2048xf32>
    %get3A_19 = vector.shape_cast %get3A_18 : vector<1x3x2048xf32> to vector<3x2048xf32>
    %select_n3A_20 = arith.select %lt3A_0, %get3A_14, %get3A_19 : vector<3x2048xf32>
    %mul3A = arith.mulf %select_n3A, %select_n3A : vector<3x512xf32>
    %reduce_sum3A = arith.constant dense<0.000000e+00> : vector<512xf32>
    %reduce_sum3A_21 = vector.multi_reduction <add>, %mul3A, %reduce_sum3A [0] : vector<3x512xf32> to vector<512xf32>
    %mul3A_22 = arith.mulf %select_n3A_20, %select_n3A_20 : vector<3x2048xf32>
    %reduce_sum3A_23 = arith.constant dense<0.000000e+00> : vector<2048xf32>
    %reduce_sum3A_24 = vector.multi_reduction <add>, %mul3A_22, %reduce_sum3A_23 [0] : vector<3x2048xf32> to vector<2048xf32>
    %dot_general3A = arith.constant dense<0.000000e+00> : vector<512x2048xf32>
    %dot_general3A_25 = tpu.matmul %select_n3A, %select_n3A_20, %dot_general3A {dimension_numbers = #tpu.dot_dimension_numbers<[0], [0], [1], [1], [0, 1, 1, 1], [], []>, transpose_lhs_hint = false} : vector<3x512xf32>, vector<3x2048xf32>, vector<512x2048xf32> -> vector<512x2048xf32>
    %broadcast_in_dim3A = vector.shape_cast %reduce_sum3A_21 : vector<512xf32> to vector<512x1xf32>
    %broadcast_in_dim3A_26 = vector.shape_cast %reduce_sum3A_24 : vector<2048xf32> to vector<1x2048xf32>
    %add3A = vector.broadcast %broadcast_in_dim3A : vector<512x1xf32> to vector<512x2048xf32>
    %add3A_27 = vector.broadcast %broadcast_in_dim3A_26 : vector<1x2048xf32> to vector<512x2048xf32>
    %add3A_28 = arith.addf %add3A, %add3A_27 : vector<512x2048xf32>
    %mul3A_29 = arith.constant 2.000000e+00 : f32
    %mul3A_30 = vector.broadcast %mul3A_29 : f32 to vector<512x2048xf32>
    %mul3A_31 = arith.mulf %mul3A_30, %dot_general3A_25 : vector<512x2048xf32>
    %sub3A = arith.subf %add3A_28, %mul3A_31 : vector<512x2048xf32>
    %iota3A = tpu.iota {dimensions = array<i32: 1>} : vector<512x2048xi32>
    %bitcast_convert_type3A = tpu.bitcast %sub3A : vector<512x2048xf32> -> vector<512x2048xi32>
    %and3A = arith.constant -2048 : i32
    %and3A_32 = vector.broadcast %and3A : i32 to vector<512x2048xi32>
    %and3A_33 = arith.andi %bitcast_convert_type3A, %and3A_32 : vector<512x2048xi32>
    %or3A = arith.ori %and3A_33, %iota3A : vector<512x2048xi32>
    %add3A_34 = arith.constant 268435456 : i32
    %add3A_35 = vector.broadcast %add3A_34 : i32 to vector<512x2048xi32>
    %add3A_36 = arith.addi %or3A, %add3A_35 : vector<512x2048xi32>
    %bitcast_convert_type3A_37 = tpu.bitcast %add3A_36 : vector<512x2048xi32> -> vector<512x2048xf32>
    %slice3A = vector.extract_strided_slice %bitcast_convert_type3A_37 {offsets = [0, 0], sizes = [512, 128], strides = [1, 1]} : vector<512x2048xf32> to vector<512x128xf32>
    %slice3A_38 = vector.extract_strided_slice %bitcast_convert_type3A_37 {offsets = [0, 128], sizes = [512, 128], strides = [1, 1]} : vector<512x2048xf32> to vector<512x128xf32>
    %min3A = arith.minimumf %slice3A, %slice3A_38 : vector<512x128xf32>
    %max3A = arith.maximumf %slice3A, %slice3A_38 : vector<512x128xf32>
    %slice3A_39 = vector.extract_strided_slice %bitcast_convert_type3A_37 {offsets = [0, 256], sizes = [512, 128], strides = [1, 1]} : vector<512x2048xf32> to vector<512x128xf32>
    %min3A_40 = arith.minimumf %max3A, %slice3A_39 : vector<512x128xf32>
    %max3A_41 = arith.maximumf %max3A, %slice3A_39 : vector<512x128xf32>
    %min3A_42 = arith.minimumf %min3A, %min3A_40 : vector<512x128xf32>
    %max3A_43 = arith.maximumf %min3A, %min3A_40 : vector<512x128xf32>
    %slice3A_44 = vector.extract_strided_slice %bitcast_convert_type3A_37 {offsets = [0, 384], sizes = [512, 128], strides = [1, 1]} : vector<512x2048xf32> to vector<512x128xf32>
    %min3A_45 = arith.minimumf %min3A_42, %slice3A_44 : vector<512x128xf32>
    %max3A_46 = arith.maximumf %min3A_42, %slice3A_44 : vector<512x128xf32>
    %min3A_47 = arith.minimumf %max3A_43, %max3A_46 : vector<512x128xf32>
    %max3A_48 = arith.maximumf %max3A_43, %max3A_46 : vector<512x128xf32>
    %min3A_49 = arith.minimumf %max3A_41, %max3A_48 : vector<512x128xf32>
    %slice3A_50 = vector.extract_strided_slice %bitcast_convert_type3A_37 {offsets = [0, 512], sizes = [512, 128], strides = [1, 1]} : vector<512x2048xf32> to vector<512x128xf32>
    %min3A_51 = arith.minimumf %min3A_45, %slice3A_50 : vector<512x128xf32>
    %max3A_52 = arith.maximumf %min3A_45, %slice3A_50 : vector<512x128xf32>
    %min3A_53 = arith.minimumf %min3A_47, %max3A_52 : vector<512x128xf32>
    %max3A_54 = arith.maximumf %min3A_47, %max3A_52 : vector<512x128xf32>
    %min3A_55 = arith.minimumf %min3A_49, %max3A_54 : vector<512x128xf32>
    %slice3A_56 = vector.extract_strided_slice %bitcast_convert_type3A_37 {offsets = [0, 640], sizes = [512, 128], strides = [1, 1]} : vector<512x2048xf32> to vector<512x128xf32>
    %min3A_57 = arith.minimumf %min3A_51, %slice3A_56 : vector<512x128xf32>
    %max3A_58 = arith.maximumf %min3A_51, %slice3A_56 : vector<512x128xf32>
    %min3A_59 = arith.minimumf %min3A_53, %max3A_58 : vector<512x128xf32>
    %max3A_60 = arith.maximumf %min3A_53, %max3A_58 : vector<512x128xf32>
    %min3A_61 = arith.minimumf %min3A_55, %max3A_60 : vector<512x128xf32>
    %slice3A_62 = vector.extract_strided_slice %bitcast_convert_type3A_37 {offsets = [0, 768], sizes = [512, 128], strides = [1, 1]} : vector<512x2048xf32> to vector<512x128xf32>
    %min3A_63 = arith.minimumf %min3A_57, %slice3A_62 : vector<512x128xf32>
    %max3A_64 = arith.maximumf %min3A_57, %slice3A_62 : vector<512x128xf32>
    %min3A_65 = arith.minimumf %min3A_59, %max3A_64 : vector<512x128xf32>
    %max3A_66 = arith.maximumf %min3A_59, %max3A_64 : vector<512x128xf32>
    %min3A_67 = arith.minimumf %min3A_61, %max3A_66 : vector<512x128xf32>
    %slice3A_68 = vector.extract_strided_slice %bitcast_convert_type3A_37 {offsets = [0, 896], sizes = [512, 128], strides = [1, 1]} : vector<512x2048xf32> to vector<512x128xf32>
    %min3A_69 = arith.minimumf %min3A_63, %slice3A_68 : vector<512x128xf32>
    %max3A_70 = arith.maximumf %min3A_63, %slice3A_68 : vector<512x128xf32>
    %min3A_71 = arith.minimumf %min3A_65, %max3A_70 : vector<512x128xf32>
    %max3A_72 = arith.maximumf %min3A_65, %max3A_70 : vector<512x128xf32>
    %min3A_73 = arith.minimumf %min3A_67, %max3A_72 : vector<512x128xf32>
    %slice3A_74 = vector.extract_strided_slice %bitcast_convert_type3A_37 {offsets = [0, 1024], sizes = [512, 128], strides = [1, 1]} : vector<512x2048xf32> to vector<512x128xf32>
    %min3A_75 = arith.minimumf %min3A_69, %slice3A_74 : vector<512x128xf32>
    %max3A_76 = arith.maximumf %min3A_69, %slice3A_74 : vector<512x128xf32>
    %min3A_77 = arith.minimumf %min3A_71, %max3A_76 : vector<512x128xf32>
    %max3A_78 = arith.maximumf %min3A_71, %max3A_76 : vector<512x128xf32>
    %min3A_79 = arith.minimumf %min3A_73, %max3A_78 : vector<512x128xf32>
    %slice3A_80 = vector.extract_strided_slice %bitcast_convert_type3A_37 {offsets = [0, 1152], sizes = [512, 128], strides = [1, 1]} : vector<512x2048xf32> to vector<512x128xf32>
    %min3A_81 = arith.minimumf %min3A_75, %slice3A_80 : vector<512x128xf32>
    %max3A_82 = arith.maximumf %min3A_75, %slice3A_80 : vector<512x128xf32>
    %min3A_83 = arith.minimumf %min3A_77, %max3A_82 : vector<512x128xf32>
    %max3A_84 = arith.maximumf %min3A_77, %max3A_82 : vector<512x128xf32>
    %min3A_85 = arith.minimumf %min3A_79, %max3A_84 : vector<512x128xf32>
    %slice3A_86 = vector.extract_strided_slice %bitcast_convert_type3A_37 {offsets = [0, 1280], sizes = [512, 128], strides = [1, 1]} : vector<512x2048xf32> to vector<512x128xf32>
    %min3A_87 = arith.minimumf %min3A_81, %slice3A_86 : vector<512x128xf32>
    %max3A_88 = arith.maximumf %min3A_81, %slice3A_86 : vector<512x128xf32>
    %min3A_89 = arith.minimumf %min3A_83, %max3A_88 : vector<512x128xf32>
    %max3A_90 = arith.maximumf %min3A_83, %max3A_88 : vector<512x128xf32>
    %min3A_91 = arith.minimumf %min3A_85, %max3A_90 : vector<512x128xf32>
    %slice3A_92 = vector.extract_strided_slice %bitcast_convert_type3A_37 {offsets = [0, 1408], sizes = [512, 128], strides = [1, 1]} : vector<512x2048xf32> to vector<512x128xf32>
    %min3A_93 = arith.minimumf %min3A_87, %slice3A_92 : vector<512x128xf32>
    %max3A_94 = arith.maximumf %min3A_87, %slice3A_92 : vector<512x128xf32>
    %min3A_95 = arith.minimumf %min3A_89, %max3A_94 : vector<512x128xf32>
    %max3A_96 = arith.maximumf %min3A_89, %max3A_94 : vector<512x128xf32>
    %min3A_97 = arith.minimumf %min3A_91, %max3A_96 : vector<512x128xf32>
    %slice3A_98 = vector.extract_strided_slice %bitcast_convert_type3A_37 {offsets = [0, 1536], sizes = [512, 128], strides = [1, 1]} : vector<512x2048xf32> to vector<512x128xf32>
    %min3A_99 = arith.minimumf %min3A_93, %slice3A_98 : vector<512x128xf32>
    %max3A_100 = arith.maximumf %min3A_93, %slice3A_98 : vector<512x128xf32>
    %min3A_101 = arith.minimumf %min3A_95, %max3A_100 : vector<512x128xf32>
    %max3A_102 = arith.maximumf %min3A_95, %max3A_100 : vector<512x128xf32>
    %min3A_103 = arith.minimumf %min3A_97, %max3A_102 : vector<512x128xf32>
    %slice3A_104 = vector.extract_strided_slice %bitcast_convert_type3A_37 {offsets = [0, 1664], sizes = [512, 128], strides = [1, 1]} : vector<512x2048xf32> to vector<512x128xf32>
    %min3A_105 = arith.minimumf %min3A_99, %slice3A_104 : vector<512x128xf32>
    %max3A_106 = arith.maximumf %min3A_99, %slice3A_104 : vector<512x128xf32>
    %min3A_107 = arith.minimumf %min3A_101, %max3A_106 : vector<512x128xf32>
    %max3A_108 = arith.maximumf %min3A_101, %max3A_106 : vector<512x128xf32>
    %min3A_109 = arith.minimumf %min3A_103, %max3A_108 : vector<512x128xf32>
    %slice3A_110 = vector.extract_strided_slice %bitcast_convert_type3A_37 {offsets = [0, 1792], sizes = [512, 128], strides = [1, 1]} : vector<512x2048xf32> to vector<512x128xf32>
    %min3A_111 = arith.minimumf %min3A_105, %slice3A_110 : vector<512x128xf32>
    %max3A_112 = arith.maximumf %min3A_105, %slice3A_110 : vector<512x128xf32>
    %min3A_113 = arith.minimumf %min3A_107, %max3A_112 : vector<512x128xf32>
    %max3A_114 = arith.maximumf %min3A_107, %max3A_112 : vector<512x128xf32>
    %min3A_115 = arith.minimumf %min3A_109, %max3A_114 : vector<512x128xf32>
    %slice3A_116 = vector.extract_strided_slice %bitcast_convert_type3A_37 {offsets = [0, 1920], sizes = [512, 128], strides = [1, 1]} : vector<512x2048xf32> to vector<512x128xf32>
    %min3A_117 = arith.minimumf %min3A_111, %slice3A_116 : vector<512x128xf32>
    %max3A_118 = arith.maximumf %min3A_111, %slice3A_116 : vector<512x128xf32>
    %min3A_119 = arith.minimumf %min3A_113, %max3A_118 : vector<512x128xf32>
    %max3A_120 = arith.maximumf %min3A_113, %max3A_118 : vector<512x128xf32>
    %min3A_121 = arith.minimumf %min3A_115, %max3A_120 : vector<512x128xf32>
    %iota3A_122 = tpu.iota {dimensions = array<i32: 1>} : vector<512x16xi32>
    %broadcast_in_dim3A_123 = arith.constant 0 : i32
    %broadcast_in_dim3A_124 = vector.broadcast %broadcast_in_dim3A_123 : i32 to vector<512x16xi32>
    %reduce_min3A = arith.constant dense<0x7F800000> : vector<512xf32>
    %reduce_min3A_125 = vector.multi_reduction <minimumf>, %min3A_117, %reduce_min3A [1] : vector<512x128xf32> to vector<512xf32>
    %eq3A = arith.constant 0 : i32
    %eq3A_126 = vector.broadcast %eq3A : i32 to vector<512x16xi32>
    %eq3A_127 = arith.cmpi eq, %iota3A_122, %eq3A_126 : vector<512x16xi32>
    %bitcast_convert_type3A_128 = tpu.bitcast %reduce_min3A_125 : vector<512xf32> -> vector<512xi32>
    %and3A_129 = arith.constant 2047 : i32
    %and3A_130 = vector.broadcast %and3A_129 : i32 to vector<512xi32>
    %and3A_131 = arith.andi %bitcast_convert_type3A_128, %and3A_130 : vector<512xi32>
    %broadcast_in_dim3A_132 = vector.shape_cast %and3A_131 : vector<512xi32> to vector<512x1xi32>
    %broadcast_in_dim3A_133 = vector.shape_cast %broadcast_in_dim3A_132 : vector<512x1xi32> to vector<512x1xi32>
    %broadcast_in_dim3A_134 = vector.broadcast %broadcast_in_dim3A_133 : vector<512x1xi32> to vector<512x16xi32>
    %select_n3A_135 = arith.select %eq3A_127, %broadcast_in_dim3A_134, %broadcast_in_dim3A_124 : vector<512x16xi1>, vector<512x16xi32>
    %broadcast_in_dim3A_136 = vector.shape_cast %reduce_min3A_125 : vector<512xf32> to vector<512x1xf32>
    %eq3A_137 = vector.broadcast %broadcast_in_dim3A_136 : vector<512x1xf32> to vector<512x128xf32>
    %eq3A_138 = arith.cmpf oeq, %min3A_117, %eq3A_137 : vector<512x128xf32>
    %select_n3A_139 = arith.select %eq3A_138, %min3A_119, %min3A_117 : vector<512x128xi1>, vector<512x128xf32>
    %select_n3A_140 = arith.select %eq3A_138, %min3A_121, %min3A_119 : vector<512x128xi1>, vector<512x128xf32>
    %jit3A = arith.constant 0x7F800000 : f32
    %broadcast_in_dim3A_141 = vector.broadcast %jit3A : f32 to vector<512x128xf32>
    %select_n3A_142 = arith.select %eq3A_138, %broadcast_in_dim3A_141, %min3A_121 : vector<512x128xi1>, vector<512x128xf32>
    %reduce_min3A_143 = arith.constant dense<0x7F800000> : vector<512xf32>
    %reduce_min3A_144 = vector.multi_reduction <minimumf>, %select_n3A_139, %reduce_min3A_143 [1] : vector<512x128xf32> to vector<512xf32>
    %eq3A_145 = arith.constant 1 : i32
    %eq3A_146 = vector.broadcast %eq3A_145 : i32 to vector<512x16xi32>
    %eq3A_147 = arith.cmpi eq, %iota3A_122, %eq3A_146 : vector<512x16xi32>
    %bitcast_convert_type3A_148 = tpu.bitcast %reduce_min3A_144 : vector<512xf32> -> vector<512xi32>
    %and3A_149 = arith.constant 2047 : i32
    %and3A_150 = vector.broadcast %and3A_149 : i32 to vector<512xi32>
    %and3A_151 = arith.andi %bitcast_convert_type3A_148, %and3A_150 : vector<512xi32>
    %broadcast_in_dim3A_152 = vector.shape_cast %and3A_151 : vector<512xi32> to vector<512x1xi32>
    %broadcast_in_dim3A_153 = vector.shape_cast %broadcast_in_dim3A_152 : vector<512x1xi32> to vector<512x1xi32>
    %broadcast_in_dim3A_154 = vector.broadcast %broadcast_in_dim3A_153 : vector<512x1xi32> to vector<512x16xi32>
    %select_n3A_155 = arith.select %eq3A_147, %broadcast_in_dim3A_154, %select_n3A_135 : vector<512x16xi1>, vector<512x16xi32>
    %broadcast_in_dim3A_156 = vector.shape_cast %reduce_min3A_144 : vector<512xf32> to vector<512x1xf32>
    %eq3A_157 = vector.broadcast %broadcast_in_dim3A_156 : vector<512x1xf32> to vector<512x128xf32>
    %eq3A_158 = arith.cmpf oeq, %select_n3A_139, %eq3A_157 : vector<512x128xf32>
    %select_n3A_159 = arith.select %eq3A_158, %select_n3A_140, %select_n3A_139 : vector<512x128xi1>, vector<512x128xf32>
    %select_n3A_160 = arith.select %eq3A_158, %select_n3A_142, %select_n3A_140 : vector<512x128xi1>, vector<512x128xf32>
    %jit3A_161 = arith.constant 0x7F800000 : f32
    %broadcast_in_dim3A_162 = vector.broadcast %jit3A_161 : f32 to vector<512x128xf32>
    %select_n3A_163 = arith.select %eq3A_158, %broadcast_in_dim3A_162, %select_n3A_142 : vector<512x128xi1>, vector<512x128xf32>
    %reduce_min3A_164 = arith.constant dense<0x7F800000> : vector<512xf32>
    %reduce_min3A_165 = vector.multi_reduction <minimumf>, %select_n3A_159, %reduce_min3A_164 [1] : vector<512x128xf32> to vector<512xf32>
    %eq3A_166 = arith.constant 2 : i32
    %eq3A_167 = vector.broadcast %eq3A_166 : i32 to vector<512x16xi32>
    %eq3A_168 = arith.cmpi eq, %iota3A_122, %eq3A_167 : vector<512x16xi32>
    %bitcast_convert_type3A_169 = tpu.bitcast %reduce_min3A_165 : vector<512xf32> -> vector<512xi32>
    %and3A_170 = arith.constant 2047 : i32
    %and3A_171 = vector.broadcast %and3A_170 : i32 to vector<512xi32>
    %and3A_172 = arith.andi %bitcast_convert_type3A_169, %and3A_171 : vector<512xi32>
    %broadcast_in_dim3A_173 = vector.shape_cast %and3A_172 : vector<512xi32> to vector<512x1xi32>
    %broadcast_in_dim3A_174 = vector.shape_cast %broadcast_in_dim3A_173 : vector<512x1xi32> to vector<512x1xi32>
    %broadcast_in_dim3A_175 = vector.broadcast %broadcast_in_dim3A_174 : vector<512x1xi32> to vector<512x16xi32>
    %select_n3A_176 = arith.select %eq3A_168, %broadcast_in_dim3A_175, %select_n3A_155 : vector<512x16xi1>, vector<512x16xi32>
    %broadcast_in_dim3A_177 = vector.shape_cast %reduce_min3A_165 : vector<512xf32> to vector<512x1xf32>
    %eq3A_178 = vector.broadcast %broadcast_in_dim3A_177 : vector<512x1xf32> to vector<512x128xf32>
    %eq3A_179 = arith.cmpf oeq, %select_n3A_159, %eq3A_178 : vector<512x128xf32>
    %select_n3A_180 = arith.select %eq3A_179, %select_n3A_160, %select_n3A_159 : vector<512x128xi1>, vector<512x128xf32>
    %select_n3A_181 = arith.select %eq3A_179, %select_n3A_163, %select_n3A_160 : vector<512x128xi1>, vector<512x128xf32>
    %jit3A_182 = arith.constant 0x7F800000 : f32
    %broadcast_in_dim3A_183 = vector.broadcast %jit3A_182 : f32 to vector<512x128xf32>
    %select_n3A_184 = arith.select %eq3A_179, %broadcast_in_dim3A_183, %select_n3A_163 : vector<512x128xi1>, vector<512x128xf32>
    %reduce_min3A_185 = arith.constant dense<0x7F800000> : vector<512xf32>
    %reduce_min3A_186 = vector.multi_reduction <minimumf>, %select_n3A_180, %reduce_min3A_185 [1] : vector<512x128xf32> to vector<512xf32>
    %eq3A_187 = arith.constant 3 : i32
    %eq3A_188 = vector.broadcast %eq3A_187 : i32 to vector<512x16xi32>
    %eq3A_189 = arith.cmpi eq, %iota3A_122, %eq3A_188 : vector<512x16xi32>
    %bitcast_convert_type3A_190 = tpu.bitcast %reduce_min3A_186 : vector<512xf32> -> vector<512xi32>
    %and3A_191 = arith.constant 2047 : i32
    %and3A_192 = vector.broadcast %and3A_191 : i32 to vector<512xi32>
    %and3A_193 = arith.andi %bitcast_convert_type3A_190, %and3A_192 : vector<512xi32>
    %broadcast_in_dim3A_194 = vector.shape_cast %and3A_193 : vector<512xi32> to vector<512x1xi32>
    %broadcast_in_dim3A_195 = vector.shape_cast %broadcast_in_dim3A_194 : vector<512x1xi32> to vector<512x1xi32>
    %broadcast_in_dim3A_196 = vector.broadcast %broadcast_in_dim3A_195 : vector<512x1xi32> to vector<512x16xi32>
    %select_n3A_197 = arith.select %eq3A_189, %broadcast_in_dim3A_196, %select_n3A_176 : vector<512x16xi1>, vector<512x16xi32>
    %broadcast_in_dim3A_198 = vector.shape_cast %reduce_min3A_186 : vector<512xf32> to vector<512x1xf32>
    %eq3A_199 = vector.broadcast %broadcast_in_dim3A_198 : vector<512x1xf32> to vector<512x128xf32>
    %eq3A_200 = arith.cmpf oeq, %select_n3A_180, %eq3A_199 : vector<512x128xf32>
    %select_n3A_201 = arith.select %eq3A_200, %select_n3A_181, %select_n3A_180 : vector<512x128xi1>, vector<512x128xf32>
    %select_n3A_202 = arith.select %eq3A_200, %select_n3A_184, %select_n3A_181 : vector<512x128xi1>, vector<512x128xf32>
    %jit3A_203 = arith.constant 0x7F800000 : f32
    %broadcast_in_dim3A_204 = vector.broadcast %jit3A_203 : f32 to vector<512x128xf32>
    %select_n3A_205 = arith.select %eq3A_200, %broadcast_in_dim3A_204, %select_n3A_184 : vector<512x128xi1>, vector<512x128xf32>
    %reduce_min3A_206 = arith.constant dense<0x7F800000> : vector<512xf32>
    %reduce_min3A_207 = vector.multi_reduction <minimumf>, %select_n3A_201, %reduce_min3A_206 [1] : vector<512x128xf32> to vector<512xf32>
    %eq3A_208 = arith.constant 4 : i32
    %eq3A_209 = vector.broadcast %eq3A_208 : i32 to vector<512x16xi32>
    %eq3A_210 = arith.cmpi eq, %iota3A_122, %eq3A_209 : vector<512x16xi32>
    %bitcast_convert_type3A_211 = tpu.bitcast %reduce_min3A_207 : vector<512xf32> -> vector<512xi32>
    %and3A_212 = arith.constant 2047 : i32
    %and3A_213 = vector.broadcast %and3A_212 : i32 to vector<512xi32>
    %and3A_214 = arith.andi %bitcast_convert_type3A_211, %and3A_213 : vector<512xi32>
    %broadcast_in_dim3A_215 = vector.shape_cast %and3A_214 : vector<512xi32> to vector<512x1xi32>
    %broadcast_in_dim3A_216 = vector.shape_cast %broadcast_in_dim3A_215 : vector<512x1xi32> to vector<512x1xi32>
    %broadcast_in_dim3A_217 = vector.broadcast %broadcast_in_dim3A_216 : vector<512x1xi32> to vector<512x16xi32>
    %select_n3A_218 = arith.select %eq3A_210, %broadcast_in_dim3A_217, %select_n3A_197 : vector<512x16xi1>, vector<512x16xi32>
    %broadcast_in_dim3A_219 = vector.shape_cast %reduce_min3A_207 : vector<512xf32> to vector<512x1xf32>
    %eq3A_220 = vector.broadcast %broadcast_in_dim3A_219 : vector<512x1xf32> to vector<512x128xf32>
    %eq3A_221 = arith.cmpf oeq, %select_n3A_201, %eq3A_220 : vector<512x128xf32>
    %select_n3A_222 = arith.select %eq3A_221, %select_n3A_202, %select_n3A_201 : vector<512x128xi1>, vector<512x128xf32>
    %select_n3A_223 = arith.select %eq3A_221, %select_n3A_205, %select_n3A_202 : vector<512x128xi1>, vector<512x128xf32>
    %jit3A_224 = arith.constant 0x7F800000 : f32
    %broadcast_in_dim3A_225 = vector.broadcast %jit3A_224 : f32 to vector<512x128xf32>
    %select_n3A_226 = arith.select %eq3A_221, %broadcast_in_dim3A_225, %select_n3A_205 : vector<512x128xi1>, vector<512x128xf32>
    %reduce_min3A_227 = arith.constant dense<0x7F800000> : vector<512xf32>
    %reduce_min3A_228 = vector.multi_reduction <minimumf>, %select_n3A_222, %reduce_min3A_227 [1] : vector<512x128xf32> to vector<512xf32>
    %eq3A_229 = arith.constant 5 : i32
    %eq3A_230 = vector.broadcast %eq3A_229 : i32 to vector<512x16xi32>
    %eq3A_231 = arith.cmpi eq, %iota3A_122, %eq3A_230 : vector<512x16xi32>
    %bitcast_convert_type3A_232 = tpu.bitcast %reduce_min3A_228 : vector<512xf32> -> vector<512xi32>
    %and3A_233 = arith.constant 2047 : i32
    %and3A_234 = vector.broadcast %and3A_233 : i32 to vector<512xi32>
    %and3A_235 = arith.andi %bitcast_convert_type3A_232, %and3A_234 : vector<512xi32>
    %broadcast_in_dim3A_236 = vector.shape_cast %and3A_235 : vector<512xi32> to vector<512x1xi32>
    %broadcast_in_dim3A_237 = vector.shape_cast %broadcast_in_dim3A_236 : vector<512x1xi32> to vector<512x1xi32>
    %broadcast_in_dim3A_238 = vector.broadcast %broadcast_in_dim3A_237 : vector<512x1xi32> to vector<512x16xi32>
    %select_n3A_239 = arith.select %eq3A_231, %broadcast_in_dim3A_238, %select_n3A_218 : vector<512x16xi1>, vector<512x16xi32>
    %broadcast_in_dim3A_240 = vector.shape_cast %reduce_min3A_228 : vector<512xf32> to vector<512x1xf32>
    %eq3A_241 = vector.broadcast %broadcast_in_dim3A_240 : vector<512x1xf32> to vector<512x128xf32>
    %eq3A_242 = arith.cmpf oeq, %select_n3A_222, %eq3A_241 : vector<512x128xf32>
    %select_n3A_243 = arith.select %eq3A_242, %select_n3A_223, %select_n3A_222 : vector<512x128xi1>, vector<512x128xf32>
    %select_n3A_244 = arith.select %eq3A_242, %select_n3A_226, %select_n3A_223 : vector<512x128xi1>, vector<512x128xf32>
    %jit3A_245 = arith.constant 0x7F800000 : f32
    %broadcast_in_dim3A_246 = vector.broadcast %jit3A_245 : f32 to vector<512x128xf32>
    %select_n3A_247 = arith.select %eq3A_242, %broadcast_in_dim3A_246, %select_n3A_226 : vector<512x128xi1>, vector<512x128xf32>
    %reduce_min3A_248 = arith.constant dense<0x7F800000> : vector<512xf32>
    %reduce_min3A_249 = vector.multi_reduction <minimumf>, %select_n3A_243, %reduce_min3A_248 [1] : vector<512x128xf32> to vector<512xf32>
    %eq3A_250 = arith.constant 6 : i32
    %eq3A_251 = vector.broadcast %eq3A_250 : i32 to vector<512x16xi32>
    %eq3A_252 = arith.cmpi eq, %iota3A_122, %eq3A_251 : vector<512x16xi32>
    %bitcast_convert_type3A_253 = tpu.bitcast %reduce_min3A_249 : vector<512xf32> -> vector<512xi32>
    %and3A_254 = arith.constant 2047 : i32
    %and3A_255 = vector.broadcast %and3A_254 : i32 to vector<512xi32>
    %and3A_256 = arith.andi %bitcast_convert_type3A_253, %and3A_255 : vector<512xi32>
    %broadcast_in_dim3A_257 = vector.shape_cast %and3A_256 : vector<512xi32> to vector<512x1xi32>
    %broadcast_in_dim3A_258 = vector.shape_cast %broadcast_in_dim3A_257 : vector<512x1xi32> to vector<512x1xi32>
    %broadcast_in_dim3A_259 = vector.broadcast %broadcast_in_dim3A_258 : vector<512x1xi32> to vector<512x16xi32>
    %select_n3A_260 = arith.select %eq3A_252, %broadcast_in_dim3A_259, %select_n3A_239 : vector<512x16xi1>, vector<512x16xi32>
    %broadcast_in_dim3A_261 = vector.shape_cast %reduce_min3A_249 : vector<512xf32> to vector<512x1xf32>
    %eq3A_262 = vector.broadcast %broadcast_in_dim3A_261 : vector<512x1xf32> to vector<512x128xf32>
    %eq3A_263 = arith.cmpf oeq, %select_n3A_243, %eq3A_262 : vector<512x128xf32>
    %select_n3A_264 = arith.select %eq3A_263, %select_n3A_244, %select_n3A_243 : vector<512x128xi1>, vector<512x128xf32>
    %select_n3A_265 = arith.select %eq3A_263, %select_n3A_247, %select_n3A_244 : vector<512x128xi1>, vector<512x128xf32>
    %jit3A_266 = arith.constant 0x7F800000 : f32
    %broadcast_in_dim3A_267 = vector.broadcast %jit3A_266 : f32 to vector<512x128xf32>
    %select_n3A_268 = arith.select %eq3A_263, %broadcast_in_dim3A_267, %select_n3A_247 : vector<512x128xi1>, vector<512x128xf32>
    %reduce_min3A_269 = arith.constant dense<0x7F800000> : vector<512xf32>
    %reduce_min3A_270 = vector.multi_reduction <minimumf>, %select_n3A_264, %reduce_min3A_269 [1] : vector<512x128xf32> to vector<512xf32>
    %eq3A_271 = arith.constant 7 : i32
    %eq3A_272 = vector.broadcast %eq3A_271 : i32 to vector<512x16xi32>
    %eq3A_273 = arith.cmpi eq, %iota3A_122, %eq3A_272 : vector<512x16xi32>
    %bitcast_convert_type3A_274 = tpu.bitcast %reduce_min3A_270 : vector<512xf32> -> vector<512xi32>
    %and3A_275 = arith.constant 2047 : i32
    %and3A_276 = vector.broadcast %and3A_275 : i32 to vector<512xi32>
    %and3A_277 = arith.andi %bitcast_convert_type3A_274, %and3A_276 : vector<512xi32>
    %broadcast_in_dim3A_278 = vector.shape_cast %and3A_277 : vector<512xi32> to vector<512x1xi32>
    %broadcast_in_dim3A_279 = vector.shape_cast %broadcast_in_dim3A_278 : vector<512x1xi32> to vector<512x1xi32>
    %broadcast_in_dim3A_280 = vector.broadcast %broadcast_in_dim3A_279 : vector<512x1xi32> to vector<512x16xi32>
    %select_n3A_281 = arith.select %eq3A_273, %broadcast_in_dim3A_280, %select_n3A_260 : vector<512x16xi1>, vector<512x16xi32>
    %broadcast_in_dim3A_282 = vector.shape_cast %reduce_min3A_270 : vector<512xf32> to vector<512x1xf32>
    %eq3A_283 = vector.broadcast %broadcast_in_dim3A_282 : vector<512x1xf32> to vector<512x128xf32>
    %eq3A_284 = arith.cmpf oeq, %select_n3A_264, %eq3A_283 : vector<512x128xf32>
    %select_n3A_285 = arith.select %eq3A_284, %select_n3A_265, %select_n3A_264 : vector<512x128xi1>, vector<512x128xf32>
    %select_n3A_286 = arith.select %eq3A_284, %select_n3A_268, %select_n3A_265 : vector<512x128xi1>, vector<512x128xf32>
    %jit3A_287 = arith.constant 0x7F800000 : f32
    %broadcast_in_dim3A_288 = vector.broadcast %jit3A_287 : f32 to vector<512x128xf32>
    %select_n3A_289 = arith.select %eq3A_284, %broadcast_in_dim3A_288, %select_n3A_268 : vector<512x128xi1>, vector<512x128xf32>
    %reduce_min3A_290 = arith.constant dense<0x7F800000> : vector<512xf32>
    %reduce_min3A_291 = vector.multi_reduction <minimumf>, %select_n3A_285, %reduce_min3A_290 [1] : vector<512x128xf32> to vector<512xf32>
    %eq3A_292 = arith.constant 8 : i32
    %eq3A_293 = vector.broadcast %eq3A_292 : i32 to vector<512x16xi32>
    %eq3A_294 = arith.cmpi eq, %iota3A_122, %eq3A_293 : vector<512x16xi32>
    %bitcast_convert_type3A_295 = tpu.bitcast %reduce_min3A_291 : vector<512xf32> -> vector<512xi32>
    %and3A_296 = arith.constant 2047 : i32
    %and3A_297 = vector.broadcast %and3A_296 : i32 to vector<512xi32>
    %and3A_298 = arith.andi %bitcast_convert_type3A_295, %and3A_297 : vector<512xi32>
    %broadcast_in_dim3A_299 = vector.shape_cast %and3A_298 : vector<512xi32> to vector<512x1xi32>
    %broadcast_in_dim3A_300 = vector.shape_cast %broadcast_in_dim3A_299 : vector<512x1xi32> to vector<512x1xi32>
    %broadcast_in_dim3A_301 = vector.broadcast %broadcast_in_dim3A_300 : vector<512x1xi32> to vector<512x16xi32>
    %select_n3A_302 = arith.select %eq3A_294, %broadcast_in_dim3A_301, %select_n3A_281 : vector<512x16xi1>, vector<512x16xi32>
    %broadcast_in_dim3A_303 = vector.shape_cast %reduce_min3A_291 : vector<512xf32> to vector<512x1xf32>
    %eq3A_304 = vector.broadcast %broadcast_in_dim3A_303 : vector<512x1xf32> to vector<512x128xf32>
    %eq3A_305 = arith.cmpf oeq, %select_n3A_285, %eq3A_304 : vector<512x128xf32>
    %select_n3A_306 = arith.select %eq3A_305, %select_n3A_286, %select_n3A_285 : vector<512x128xi1>, vector<512x128xf32>
    %select_n3A_307 = arith.select %eq3A_305, %select_n3A_289, %select_n3A_286 : vector<512x128xi1>, vector<512x128xf32>
    %jit3A_308 = arith.constant 0x7F800000 : f32
    %broadcast_in_dim3A_309 = vector.broadcast %jit3A_308 : f32 to vector<512x128xf32>
    %select_n3A_310 = arith.select %eq3A_305, %broadcast_in_dim3A_309, %select_n3A_289 : vector<512x128xi1>, vector<512x128xf32>
    %reduce_min3A_311 = arith.constant dense<0x7F800000> : vector<512xf32>
    %reduce_min3A_312 = vector.multi_reduction <minimumf>, %select_n3A_306, %reduce_min3A_311 [1] : vector<512x128xf32> to vector<512xf32>
    %eq3A_313 = arith.constant 9 : i32
    %eq3A_314 = vector.broadcast %eq3A_313 : i32 to vector<512x16xi32>
    %eq3A_315 = arith.cmpi eq, %iota3A_122, %eq3A_314 : vector<512x16xi32>
    %bitcast_convert_type3A_316 = tpu.bitcast %reduce_min3A_312 : vector<512xf32> -> vector<512xi32>
    %and3A_317 = arith.constant 2047 : i32
    %and3A_318 = vector.broadcast %and3A_317 : i32 to vector<512xi32>
    %and3A_319 = arith.andi %bitcast_convert_type3A_316, %and3A_318 : vector<512xi32>
    %broadcast_in_dim3A_320 = vector.shape_cast %and3A_319 : vector<512xi32> to vector<512x1xi32>
    %broadcast_in_dim3A_321 = vector.shape_cast %broadcast_in_dim3A_320 : vector<512x1xi32> to vector<512x1xi32>
    %broadcast_in_dim3A_322 = vector.broadcast %broadcast_in_dim3A_321 : vector<512x1xi32> to vector<512x16xi32>
    %select_n3A_323 = arith.select %eq3A_315, %broadcast_in_dim3A_322, %select_n3A_302 : vector<512x16xi1>, vector<512x16xi32>
    %broadcast_in_dim3A_324 = vector.shape_cast %reduce_min3A_312 : vector<512xf32> to vector<512x1xf32>
    %eq3A_325 = vector.broadcast %broadcast_in_dim3A_324 : vector<512x1xf32> to vector<512x128xf32>
    %eq3A_326 = arith.cmpf oeq, %select_n3A_306, %eq3A_325 : vector<512x128xf32>
    %select_n3A_327 = arith.select %eq3A_326, %select_n3A_307, %select_n3A_306 : vector<512x128xi1>, vector<512x128xf32>
    %select_n3A_328 = arith.select %eq3A_326, %select_n3A_310, %select_n3A_307 : vector<512x128xi1>, vector<512x128xf32>
    %jit3A_329 = arith.constant 0x7F800000 : f32
    %broadcast_in_dim3A_330 = vector.broadcast %jit3A_329 : f32 to vector<512x128xf32>
    %select_n3A_331 = arith.select %eq3A_326, %broadcast_in_dim3A_330, %select_n3A_310 : vector<512x128xi1>, vector<512x128xf32>
    %reduce_min3A_332 = arith.constant dense<0x7F800000> : vector<512xf32>
    %reduce_min3A_333 = vector.multi_reduction <minimumf>, %select_n3A_327, %reduce_min3A_332 [1] : vector<512x128xf32> to vector<512xf32>
    %eq3A_334 = arith.constant 10 : i32
    %eq3A_335 = vector.broadcast %eq3A_334 : i32 to vector<512x16xi32>
    %eq3A_336 = arith.cmpi eq, %iota3A_122, %eq3A_335 : vector<512x16xi32>
    %bitcast_convert_type3A_337 = tpu.bitcast %reduce_min3A_333 : vector<512xf32> -> vector<512xi32>
    %and3A_338 = arith.constant 2047 : i32
    %and3A_339 = vector.broadcast %and3A_338 : i32 to vector<512xi32>
    %and3A_340 = arith.andi %bitcast_convert_type3A_337, %and3A_339 : vector<512xi32>
    %broadcast_in_dim3A_341 = vector.shape_cast %and3A_340 : vector<512xi32> to vector<512x1xi32>
    %broadcast_in_dim3A_342 = vector.shape_cast %broadcast_in_dim3A_341 : vector<512x1xi32> to vector<512x1xi32>
    %broadcast_in_dim3A_343 = vector.broadcast %broadcast_in_dim3A_342 : vector<512x1xi32> to vector<512x16xi32>
    %select_n3A_344 = arith.select %eq3A_336, %broadcast_in_dim3A_343, %select_n3A_323 : vector<512x16xi1>, vector<512x16xi32>
    %broadcast_in_dim3A_345 = vector.shape_cast %reduce_min3A_333 : vector<512xf32> to vector<512x1xf32>
    %eq3A_346 = vector.broadcast %broadcast_in_dim3A_345 : vector<512x1xf32> to vector<512x128xf32>
    %eq3A_347 = arith.cmpf oeq, %select_n3A_327, %eq3A_346 : vector<512x128xf32>
    %select_n3A_348 = arith.select %eq3A_347, %select_n3A_328, %select_n3A_327 : vector<512x128xi1>, vector<512x128xf32>
    %select_n3A_349 = arith.select %eq3A_347, %select_n3A_331, %select_n3A_328 : vector<512x128xi1>, vector<512x128xf32>
    %jit3A_350 = arith.constant 0x7F800000 : f32
    %broadcast_in_dim3A_351 = vector.broadcast %jit3A_350 : f32 to vector<512x128xf32>
    %select_n3A_352 = arith.select %eq3A_347, %broadcast_in_dim3A_351, %select_n3A_331 : vector<512x128xi1>, vector<512x128xf32>
    %reduce_min3A_353 = arith.constant dense<0x7F800000> : vector<512xf32>
    %reduce_min3A_354 = vector.multi_reduction <minimumf>, %select_n3A_348, %reduce_min3A_353 [1] : vector<512x128xf32> to vector<512xf32>
    %eq3A_355 = arith.constant 11 : i32
    %eq3A_356 = vector.broadcast %eq3A_355 : i32 to vector<512x16xi32>
    %eq3A_357 = arith.cmpi eq, %iota3A_122, %eq3A_356 : vector<512x16xi32>
    %bitcast_convert_type3A_358 = tpu.bitcast %reduce_min3A_354 : vector<512xf32> -> vector<512xi32>
    %and3A_359 = arith.constant 2047 : i32
    %and3A_360 = vector.broadcast %and3A_359 : i32 to vector<512xi32>
    %and3A_361 = arith.andi %bitcast_convert_type3A_358, %and3A_360 : vector<512xi32>
    %broadcast_in_dim3A_362 = vector.shape_cast %and3A_361 : vector<512xi32> to vector<512x1xi32>
    %broadcast_in_dim3A_363 = vector.shape_cast %broadcast_in_dim3A_362 : vector<512x1xi32> to vector<512x1xi32>
    %broadcast_in_dim3A_364 = vector.broadcast %broadcast_in_dim3A_363 : vector<512x1xi32> to vector<512x16xi32>
    %select_n3A_365 = arith.select %eq3A_357, %broadcast_in_dim3A_364, %select_n3A_344 : vector<512x16xi1>, vector<512x16xi32>
    %broadcast_in_dim3A_366 = vector.shape_cast %reduce_min3A_354 : vector<512xf32> to vector<512x1xf32>
    %eq3A_367 = vector.broadcast %broadcast_in_dim3A_366 : vector<512x1xf32> to vector<512x128xf32>
    %eq3A_368 = arith.cmpf oeq, %select_n3A_348, %eq3A_367 : vector<512x128xf32>
    %select_n3A_369 = arith.select %eq3A_368, %select_n3A_349, %select_n3A_348 : vector<512x128xi1>, vector<512x128xf32>
    %select_n3A_370 = arith.select %eq3A_368, %select_n3A_352, %select_n3A_349 : vector<512x128xi1>, vector<512x128xf32>
    %jit3A_371 = arith.constant 0x7F800000 : f32
    %broadcast_in_dim3A_372 = vector.broadcast %jit3A_371 : f32 to vector<512x128xf32>
    %select_n3A_373 = arith.select %eq3A_368, %broadcast_in_dim3A_372, %select_n3A_352 : vector<512x128xi1>, vector<512x128xf32>
    %reduce_min3A_374 = arith.constant dense<0x7F800000> : vector<512xf32>
    %reduce_min3A_375 = vector.multi_reduction <minimumf>, %select_n3A_369, %reduce_min3A_374 [1] : vector<512x128xf32> to vector<512xf32>
    %eq3A_376 = arith.constant 12 : i32
    %eq3A_377 = vector.broadcast %eq3A_376 : i32 to vector<512x16xi32>
    %eq3A_378 = arith.cmpi eq, %iota3A_122, %eq3A_377 : vector<512x16xi32>
    %bitcast_convert_type3A_379 = tpu.bitcast %reduce_min3A_375 : vector<512xf32> -> vector<512xi32>
    %and3A_380 = arith.constant 2047 : i32
    %and3A_381 = vector.broadcast %and3A_380 : i32 to vector<512xi32>
    %and3A_382 = arith.andi %bitcast_convert_type3A_379, %and3A_381 : vector<512xi32>
    %broadcast_in_dim3A_383 = vector.shape_cast %and3A_382 : vector<512xi32> to vector<512x1xi32>
    %broadcast_in_dim3A_384 = vector.shape_cast %broadcast_in_dim3A_383 : vector<512x1xi32> to vector<512x1xi32>
    %broadcast_in_dim3A_385 = vector.broadcast %broadcast_in_dim3A_384 : vector<512x1xi32> to vector<512x16xi32>
    %select_n3A_386 = arith.select %eq3A_378, %broadcast_in_dim3A_385, %select_n3A_365 : vector<512x16xi1>, vector<512x16xi32>
    %broadcast_in_dim3A_387 = vector.shape_cast %reduce_min3A_375 : vector<512xf32> to vector<512x1xf32>
    %eq3A_388 = vector.broadcast %broadcast_in_dim3A_387 : vector<512x1xf32> to vector<512x128xf32>
    %eq3A_389 = arith.cmpf oeq, %select_n3A_369, %eq3A_388 : vector<512x128xf32>
    %select_n3A_390 = arith.select %eq3A_389, %select_n3A_370, %select_n3A_369 : vector<512x128xi1>, vector<512x128xf32>
    %select_n3A_391 = arith.select %eq3A_389, %select_n3A_373, %select_n3A_370 : vector<512x128xi1>, vector<512x128xf32>
    %jit3A_392 = arith.constant 0x7F800000 : f32
    %broadcast_in_dim3A_393 = vector.broadcast %jit3A_392 : f32 to vector<512x128xf32>
    %select_n3A_394 = arith.select %eq3A_389, %broadcast_in_dim3A_393, %select_n3A_373 : vector<512x128xi1>, vector<512x128xf32>
    %reduce_min3A_395 = arith.constant dense<0x7F800000> : vector<512xf32>
    %reduce_min3A_396 = vector.multi_reduction <minimumf>, %select_n3A_390, %reduce_min3A_395 [1] : vector<512x128xf32> to vector<512xf32>
    %eq3A_397 = arith.constant 13 : i32
    %eq3A_398 = vector.broadcast %eq3A_397 : i32 to vector<512x16xi32>
    %eq3A_399 = arith.cmpi eq, %iota3A_122, %eq3A_398 : vector<512x16xi32>
    %bitcast_convert_type3A_400 = tpu.bitcast %reduce_min3A_396 : vector<512xf32> -> vector<512xi32>
    %and3A_401 = arith.constant 2047 : i32
    %and3A_402 = vector.broadcast %and3A_401 : i32 to vector<512xi32>
    %and3A_403 = arith.andi %bitcast_convert_type3A_400, %and3A_402 : vector<512xi32>
    %broadcast_in_dim3A_404 = vector.shape_cast %and3A_403 : vector<512xi32> to vector<512x1xi32>
    %broadcast_in_dim3A_405 = vector.shape_cast %broadcast_in_dim3A_404 : vector<512x1xi32> to vector<512x1xi32>
    %broadcast_in_dim3A_406 = vector.broadcast %broadcast_in_dim3A_405 : vector<512x1xi32> to vector<512x16xi32>
    %select_n3A_407 = arith.select %eq3A_399, %broadcast_in_dim3A_406, %select_n3A_386 : vector<512x16xi1>, vector<512x16xi32>
    %broadcast_in_dim3A_408 = vector.shape_cast %reduce_min3A_396 : vector<512xf32> to vector<512x1xf32>
    %eq3A_409 = vector.broadcast %broadcast_in_dim3A_408 : vector<512x1xf32> to vector<512x128xf32>
    %eq3A_410 = arith.cmpf oeq, %select_n3A_390, %eq3A_409 : vector<512x128xf32>
    %select_n3A_411 = arith.select %eq3A_410, %select_n3A_391, %select_n3A_390 : vector<512x128xi1>, vector<512x128xf32>
    %select_n3A_412 = arith.select %eq3A_410, %select_n3A_394, %select_n3A_391 : vector<512x128xi1>, vector<512x128xf32>
    %reduce_min3A_413 = arith.constant dense<0x7F800000> : vector<512xf32>
    %reduce_min3A_414 = vector.multi_reduction <minimumf>, %select_n3A_411, %reduce_min3A_413 [1] : vector<512x128xf32> to vector<512xf32>
    %eq3A_415 = arith.constant 14 : i32
    %eq3A_416 = vector.broadcast %eq3A_415 : i32 to vector<512x16xi32>
    %eq3A_417 = arith.cmpi eq, %iota3A_122, %eq3A_416 : vector<512x16xi32>
    %bitcast_convert_type3A_418 = tpu.bitcast %reduce_min3A_414 : vector<512xf32> -> vector<512xi32>
    %and3A_419 = arith.constant 2047 : i32
    %and3A_420 = vector.broadcast %and3A_419 : i32 to vector<512xi32>
    %and3A_421 = arith.andi %bitcast_convert_type3A_418, %and3A_420 : vector<512xi32>
    %broadcast_in_dim3A_422 = vector.shape_cast %and3A_421 : vector<512xi32> to vector<512x1xi32>
    %broadcast_in_dim3A_423 = vector.shape_cast %broadcast_in_dim3A_422 : vector<512x1xi32> to vector<512x1xi32>
    %broadcast_in_dim3A_424 = vector.broadcast %broadcast_in_dim3A_423 : vector<512x1xi32> to vector<512x16xi32>
    %select_n3A_425 = arith.select %eq3A_417, %broadcast_in_dim3A_424, %select_n3A_407 : vector<512x16xi1>, vector<512x16xi32>
    %broadcast_in_dim3A_426 = vector.shape_cast %reduce_min3A_414 : vector<512xf32> to vector<512x1xf32>
    %eq3A_427 = vector.broadcast %broadcast_in_dim3A_426 : vector<512x1xf32> to vector<512x128xf32>
    %eq3A_428 = arith.cmpf oeq, %select_n3A_411, %eq3A_427 : vector<512x128xf32>
    %select_n3A_429 = arith.select %eq3A_428, %select_n3A_412, %select_n3A_411 : vector<512x128xi1>, vector<512x128xf32>
    %reduce_min3A_430 = arith.constant dense<0x7F800000> : vector<512xf32>
    %reduce_min3A_431 = vector.multi_reduction <minimumf>, %select_n3A_429, %reduce_min3A_430 [1] : vector<512x128xf32> to vector<512xf32>
    %eq3A_432 = arith.constant 15 : i32
    %eq3A_433 = vector.broadcast %eq3A_432 : i32 to vector<512x16xi32>
    %eq3A_434 = arith.cmpi eq, %iota3A_122, %eq3A_433 : vector<512x16xi32>
    %bitcast_convert_type3A_435 = tpu.bitcast %reduce_min3A_431 : vector<512xf32> -> vector<512xi32>
    %and3A_436 = arith.constant 2047 : i32
    %and3A_437 = vector.broadcast %and3A_436 : i32 to vector<512xi32>
    %and3A_438 = arith.andi %bitcast_convert_type3A_435, %and3A_437 : vector<512xi32>
    %broadcast_in_dim3A_439 = vector.shape_cast %and3A_438 : vector<512xi32> to vector<512x1xi32>
    %broadcast_in_dim3A_440 = vector.shape_cast %broadcast_in_dim3A_439 : vector<512x1xi32> to vector<512x1xi32>
    %broadcast_in_dim3A_441 = vector.broadcast %broadcast_in_dim3A_440 : vector<512x1xi32> to vector<512x16xi32>
    %select_n3A_442 = arith.select %eq3A_434, %broadcast_in_dim3A_441, %select_n3A_425 : vector<512x16xi1>, vector<512x16xi32>
    %swap3A = arith.constant 0 : index
    %swap3A_443 = arith.constant 0 : index
    %swap3A_444 = arith.constant 0 : index
    %swap3A_445 = vector.load %arg6[%swap3A, %swap3A_443, %swap3A_444] : memref<1x512x16xi32, #tpu.memory_space<vmem>>, vector<1x512x16xi32>
    %swap3A_446 = vector.shape_cast %swap3A_445 : vector<1x512x16xi32> to vector<512x16xi32>
    %swap3A_447 = vector.shape_cast %select_n3A_442 : vector<512x16xi32> to vector<1x512x16xi32>
    tpu.vector_store %arg6[%swap3A, %swap3A_443, %swap3A_444], %swap3A_447 {strides = array<i32>} : memref<1x512x16xi32, #tpu.memory_space<vmem>>, vector<1x512x16xi32>,
    return
  }
  func.func @transform_0(%arg0: i32, %arg1: i32) -> (i32, i32, i32) {
    %jit3A = arith.constant 4 : i32
    %eq3A = arith.constant 0 : i32
    %eq3A_0 = arith.cmpi eq, %jit3A, %eq3A : i32
    %jit3A_1 = arith.constant 1 : i32
    %select_n3A = arith.select %eq3A_0, %jit3A_1, %jit3A : i32
    %rem3A = arith.remsi %arg0, %select_n3A : i32
    %ne3A = arith.constant 0 : i32
    %ne3A_2 = arith.cmpi ne, %rem3A, %ne3A : i32
    %lt3A = arith.constant 0 : i32
    %lt3A_3 = arith.cmpi slt, %rem3A, %lt3A : i32
    %lt3A_4 = arith.constant 0 : i32
    %lt3A_5 = arith.cmpi slt, %select_n3A, %lt3A_4 : i32
    %ne3A_6 = arith.xori %lt3A_3, %lt3A_5 : i1
    %and3A = arith.andi %ne3A_6, %ne3A_2 : i1
    %add3A = arith.addi %rem3A, %select_n3A : i32
    %select_n3A_7 = arith.select %and3A, %add3A, %rem3A : i32
    %c0_i32 = arith.constant 0 : i32
    %c0_i32_8 = arith.constant 0 : i32
    return %select_n3A_7, %c0_i32, %arg1 : i32, i32, i32
  }
  func.func @transform_1(%arg0: i32, %arg1: i32) -> (i32, i32, i32) {
    %jit3A = arith.constant 4 : i32
    %eq3A = arith.constant 0 : i32
    %eq3A_0 = arith.cmpi eq, %jit3A, %eq3A : i32
    %jit3A_1 = arith.constant 1 : i32
    %select_n3A = arith.select %eq3A_0, %jit3A_1, %jit3A : i32
    %rem3A = arith.remsi %arg0, %select_n3A : i32
    %ne3A = arith.constant 0 : i32
    %ne3A_2 = arith.cmpi ne, %rem3A, %ne3A : i32
    %lt3A = arith.constant 0 : i32
    %lt3A_3 = arith.cmpi slt, %rem3A, %lt3A : i32
    %lt3A_4 = arith.constant 0 : i32
    %lt3A_5 = arith.cmpi slt, %select_n3A, %lt3A_4 : i32
    %ne3A_6 = arith.xori %lt3A_3, %lt3A_5 : i1
    %and3A = arith.andi %ne3A_6, %ne3A_2 : i1
    %add3A = arith.addi %rem3A, %select_n3A : i32
    %select_n3A_7 = arith.select %and3A, %add3A, %rem3A : i32
    %c0_i32 = arith.constant 0 : i32
    %c0_i32_8 = arith.constant 0 : i32
    return %select_n3A_7, %c0_i32, %arg1 : i32, i32, i32
  }
  func.func @transform_2(%arg0: i32, %arg1: i32) -> (i32, i32, i32) {
    %jit3A = arith.constant 4 : i32
    %eq3A = arith.constant 0 : i32
    %eq3A_0 = arith.cmpi eq, %jit3A, %eq3A : i32
    %jit3A_1 = arith.constant 1 : i32
    %select_n3A = arith.select %eq3A_0, %jit3A_1, %jit3A : i32
    %rem3A = arith.remsi %arg0, %select_n3A : i32
    %ne3A = arith.constant 0 : i32
    %ne3A_2 = arith.cmpi ne, %rem3A, %ne3A : i32
    %lt3A = arith.constant 0 : i32
    %lt3A_3 = arith.cmpi slt, %rem3A, %lt3A : i32
    %lt3A_4 = arith.constant 0 : i32
    %lt3A_5 = arith.cmpi slt, %select_n3A, %lt3A_4 : i32
    %ne3A_6 = arith.xori %lt3A_3, %lt3A_5 : i1
    %and3A = arith.andi %ne3A_6, %ne3A_2 : i1
    %add3A = arith.addi %rem3A, %select_n3A : i32
    %select_n3A_7 = arith.select %and3A, %add3A, %rem3A : i32
    %c0_i32 = arith.constant 0 : i32
    %c0_i32_8 = arith.constant 0 : i32
    %c0_i32_9 = arith.constant 0 : i32
    return %select_n3A_7, %c0_i32, %c0_i32_8 : i32, i32, i32
  }
  func.func @transform_3(%arg0: i32, %arg1: i32) -> (i32, i32, i32) {
    %jit3A = arith.constant 4 : i32
    %eq3A = arith.constant 0 : i32
    %eq3A_0 = arith.cmpi eq, %jit3A, %eq3A : i32
    %jit3A_1 = arith.constant 1 : i32
    %select_n3A = arith.select %eq3A_0, %jit3A_1, %jit3A : i32
    %rem3A = arith.remsi %arg0, %select_n3A : i32
    %ne3A = arith.constant 0 : i32
    %ne3A_2 = arith.cmpi ne, %rem3A, %ne3A : i32
    %lt3A = arith.constant 0 : i32
    %lt3A_3 = arith.cmpi slt, %rem3A, %lt3A : i32
    %lt3A_4 = arith.constant 0 : i32
    %lt3A_5 = arith.cmpi slt, %select_n3A, %lt3A_4 : i32
    %ne3A_6 = arith.xori %lt3A_3, %lt3A_5 : i1
    %and3A = arith.andi %ne3A_6, %ne3A_2 : i1
    %add3A = arith.addi %rem3A, %select_n3A : i32
    %select_n3A_7 = arith.select %and3A, %add3A, %rem3A : i32
    %c0_i32 = arith.constant 0 : i32
    %c0_i32_8 = arith.constant 0 : i32
    %c0_i32_9 = arith.constant 0 : i32
    return %select_n3A_7, %c0_i32, %c0_i32_8 : i32, i32, i32
  }
  func.func @transform_4(%arg0: i32, %arg1: i32) -> (i32, i32, i32) {
    %c0_i32 = arith.constant 0 : i32
    %c0_i32_0 = arith.constant 0 : i32
    return %arg0, %arg1, %c0_i32 : i32, i32, i32
  }
}

</mosaic_0001>

<sc_bundles>
// kernel: kernel.5.cloned.1.call-start
scs
__scs_entry_jumppad:
0x0: {  	(pc) =	sbr.rel $0x88, $3  }
0x1: {  	(tag) =	ssettag $0x0;
	lr =	simm.s32 $0x1  }
0x2: {  	[smem:$0x3F9E] =	sst lr;
	_ =	strace $0xD0000000  }
0x3: {  	_ = 	snop  }
0x4: {  	_ = 	snop  }
0x5: {  	_ = 	snop  }
0x6: {  	_ = 	snop  }
0x7: {  	_ = 	snop  }
__scs_overlays_trampoline_lowered:
0x8: {  	[smem:$0x3FAD] =	sst s0  }
0x9: {  	[smem:$0x3FAE] =	sst s1  }
0xa: {  	[smem:$0x3FAF] =	sst s2  }
0xb: {  	[smem:$0x3FB0] =	sst s3  }
0xc: {  	[smem:$0x3FB1] =	sst s4  }
0xd: {  	[smem:$0x3FB2] =	sst s5  }
0xe: {  	[smem:$0x3FB3] =	sst s6  }
0xf: {  	[smem:$0x3FB4] =	sst s7  }
0x10: {  	[smem:$0x3FB5] =	sst s8  }
0x11: {  	[smem:$0x3FB6] =	sst s9;
	s0 =	simm.s32 @!p0 $0x0  }
0x12: {  	s1 =	sld [smem:$0x3F9C];
	s0 =	simm.s32 @p0 $0x1  }
0x13: {  	[smem:$0x3FB7] =	sst s0;
	s0 =	simm.s32 @!p1 $0x0  }
0x14: {  	s2 =	sld [smem:$0x3F9B];
	s0 =	simm.s32 @p1 $0x1  }
0x15: {  	[smem:$0x3FB8] =	sst s0;
	s0 =	simm.s32 @!p2 $0x0  }
0x16: {  	s3 =	sld [smem:$0x3FDB];
	s0 =	simm.s32 @p2 $0x1  }
0x17: {  	s4 =	simm.s32 $0x1BF5;
	[smem:$0x3FBA] =	sst s0  }
0x18: {  	s0 =	sld [smem:$0x3F9D];
	_ =	swait.ge [sflag:s4], $0x0  }
0x19: {  	s7 =	sld [smem:$0x3F9E]  }
0x1a: {  	s8 =	sadd.s32 $0xFFFFE003, lr  }
0x1b: {  	s9 =	sadd.s32 $0xFFFFFEF7, lr;
	s5 =	simm.s32 $0xFFFFFFFF;
	p2 =	slt.u32 s8, $0xFFFFF086  }
0x1c: {  	p1 =	slt.u32 s9, $0xF7A;
	s5 =	simm.s32 @!p2 $0x0  }
0x1d: {  	s5 =	simm.s32 @p1 $0x1;
	p0 =	seq.s32 s7, s2  }
0x1e: {  	s7 =	smul.u32 @!p0 $0xF7A, s2;
	p2 =	seq.s32 @!p0 s5, $0x0  }
0x1f: {  	s9 =	smul.u32 $0xF7A, s1;
	s8 =	simm.s32 @!p0 $0x1BF5;
	p2 =	por !p2, p0  }
0x20: {  	[sflag:s8] =	ssyncset.s32 @!p0 $0xFFFFF086;
	s6 =	sadd.s32 @!p0 s3, s7;
	s7 =	simm.s32 @!p0 $0x108  }
0x21: {  	s3 =	sadd.s32 s3, s9;
	s6 =	sadd.s32 @!p0 $0x88, s6;
	s7 =	simm.s32 @p2 $0x1082  }
0x22: {  	[simem:s7], [sflag:s8] =	dma.local @!p0 [hbm:s6], $0xF7A  }
0x23: {  	s9 =	sor.u32 $0xD0000000, s2;
	s6 =	simm.s32 $0x108;
	_ =	swait.ge @!p0 [sflag:s8], $0x0  }
0x24: {  	s3 =	sadd.s32 $0x88, s3;
	s6 =	simm.s32 @!p1 $0x1082;
	[sflag:s4] =	ssyncset.s32 $0xFFFFF086  }
0x25: {  	[simem:s6], [sflag:s4] =	dma.local [hbm:s3], $0xF7A  }
0x26: {  	[smem:$0x3F9E] =	sst s1;
	(tag) =	ssettag s2;
	_ =	strace s9  }
0x27: {  	s1 =	sld [smem:$0x3FAE]  }
0x28: {  	s2 =	sld [smem:$0x3FAF]  }
0x29: {  	s4 =	sld [smem:$0x3FB1]  }
0x2a: {  	p0 =	seq.s32 s5, $0x0;
	s5 =	sld [smem:$0x3FB2]  }
0x2b: {  	s6 =	sld [smem:$0x3FB3]  }
0x2c: {  	s7 =	sld [smem:$0x3FB4]  }
0x2d: {  	s3 =	simm.s32 $0x108;
	s8 =	sld [smem:$0x3FB5]  }
0x2e: {  	s3 =	simm.s32 @!p0 $0x1082;
	s9 =	sld [smem:$0x3FB6]  }
0x2f: {  	lr =	sadd.s32 s0, s3;
	s0 =	sld [smem:$0x3FAD]  }
0x30: {  	s3 =	sld [smem:$0x3FB0]  }
0x31: {  	[smem:$0x3FB9] =	sst s10  }
0x32: {  	s10 =	sld [smem:$0x3FB7];
	_ =	sdelay $0x3  }
0x33: {  	p0 =	seq.s32 s10, $0x1;
	s10 =	sld [smem:$0x3FB9];
	_ =	sdelay $0x3  }
0x34: {  	[smem:$0x3FB9] =	sst s10  }
0x35: {  	s10 =	sld [smem:$0x3FB8];
	_ =	sdelay $0x3  }
0x36: {  	p1 =	seq.s32 s10, $0x1;
	s10 =	sld [smem:$0x3FB9];
	_ =	sdelay $0x3  }
0x37: {  	[smem:$0x3FB9] =	sst s10  }
0x38: {  	s10 =	sld [smem:$0x3FBA]  }
0x39: {  	_ = 	snop;
	(pc) =	sbr.ind lr, $3  }
0x3a: {  	_ = 	snop  }
0x3b: {  	_ = 	snop  }
0x3c: {  	p2 =	seq.s32 s10, $0x1;
	s10 =	sld [smem:$0x3FB9]  }
0x3d: {  	_ =	shalt  }
0x3e: {  	_ =	shalt  }
0x3f: {  	_ =	shalt  }
0x40: {  	_ =	shalt  }
0x41: {  	_ =	shalt  }
0x42: {  	_ =	shalt  }
0x43: {  	_ =	shalt  }
0x44: {  	_ =	shalt  }
0x45: {  	_ =	shalt  }
0x46: {  	_ =	shalt  }
0x47: {  	_ =	shalt  }
0x48: {  	_ =	shalt  }
0x49: {  	_ =	shalt  }
0x4a: {  	_ =	shalt  }
0x4b: {  	_ =	shalt  }
0x4c: {  	_ =	shalt  }
0x4d: {  	_ =	shalt  }
0x4e: {  	_ =	shalt  }
0x4f: {  	_ =	shalt  }
0x50: {  	_ =	shalt  }
0x51: {  	_ =	shalt  }
0x52: {  	_ =	shalt  }
0x53: {  	_ =	shalt  }
0x54: {  	_ =	shalt  }
0x55: {  	_ =	shalt  }
0x56: {  	_ =	shalt  }
0x57: {  	_ =	shalt  }
0x58: {  	_ =	shalt  }
0x59: {  	_ =	shalt  }
0x5a: {  	_ =	shalt  }
0x5b: {  	_ =	shalt  }
0x5c: {  	_ =	shalt  }
0x5d: {  	_ =	shalt  }
0x5e: {  	_ =	shalt  }
0x5f: {  	_ =	shalt  }
0x60: {  	_ =	shalt  }
0x61: {  	_ =	shalt  }
0x62: {  	_ =	shalt  }
0x63: {  	_ =	shalt  }
0x64: {  	_ =	shalt  }
0x65: {  	_ =	shalt  }
0x66: {  	_ =	shalt  }
0x67: {  	_ =	shalt  }
0x68: {  	_ =	shalt  }
0x69: {  	_ =	shalt  }
0x6a: {  	_ =	shalt  }
0x6b: {  	_ =	shalt  }
0x6c: {  	_ =	shalt  }
0x6d: {  	_ =	shalt  }
0x6e: {  	_ =	shalt  }
0x6f: {  	_ =	shalt  }
0x70: {  	_ =	shalt  }
0x71: {  	_ =	shalt  }
0x72: {  	_ =	shalt  }
0x73: {  	_ =	shalt  }
0x74: {  	_ =	shalt  }
0x75: {  	_ =	shalt  }
0x76: {  	_ =	shalt  }
0x77: {  	_ =	shalt  }
0x78: {  	_ =	shalt  }
0x79: {  	_ =	shalt  }
0x7a: {  	_ =	shalt  }
0x7b: {  	_ =	shalt  }
0x7c: {  	_ =	shalt  }
0x7d: {  	_ =	shalt  }
0x7e: {  	_ =	shalt  }
0x7f: {  	_ =	shalt  }
0x80: {  	_ =	shalt  }
0x81: {  	_ =	shalt  }
0x82: {  	_ =	shalt  }
0x83: {  	_ =	shalt  }
0x84: {  	_ =	shalt  }
0x85: {  	_ =	shalt  }
0x86: {  	_ =	shalt  }
0x87: {  	_ =	shalt  }
.Lfunc_end0:
.L_simem_size_0:
called_computation_lowered:
.L_overlay_start_0:
0x88: {  	s2 =	sld [smem:$0x3FD9]  }
0x89: {  	s3 =	sld [smem:$0x3FFE];
	_ =	sdelay $0x1  }
0x8a: {  	s1 =	srdreg.scid  }
0x8b: {  	s0 =	sand.u32 $0x1, s1  }
0x8c: {  	s17 =	sshll.u32 s0, $0xA;
	s2 =	sadd.s32 s3, s2  }
0x8d: {  	s2 =	sadd.s32 s2, s17  }
0x8e: {  	[smem:$0x3FC5] =	sst s2  }
0x8f: {  	_ = 	snop  }
0x90: {  	s2 =	sld [smem:$0x3FD0];
	(tm) =	ssettm $0x1  }
0x91: {  	s18 =	sld [smem:$0x3FFB];
	_ =	sdelay $0x3  }
0x92: {  	_ =	strace s18  }
0x93: {  	s3 =	sld [smem:$0x3FFC];
	_ =	sdelay $0x3  }
0x94: {  	_ =	strace s3  }
0x95: {  	s3 =	sld [smem:$0x3FFD];
	_ =	sdelay $0x3  }
0x96: {  	_ =	strace s3  }
0x97: {  	_ =	strace $0x8FFFFFFF  }
0x98: {  	s19 =	sld [smem:$0x3FDB];
	_ =	sdelay $0x1  }
0x99: {  	s4 =	simm.s32 $_scs_section_size  }
0x9a: {  	s5 =	simm.s32 $_size__tile_overlayer_lowered;
	s6 =	simm.s32 $_tile_overlayer_lowered  }
0x9b: {  	s22 =	simm.s32 $0x1BFF;
	s21 =	sshll.u32 s6, $0x1;
	s3 =	sadd.s32 s4, s19  }
0x9c: {  	s7 =	simm.s32 $0x0;
	s20 =	sshll.u32 s5, $0x1;
	s5 =	sadd.s32 s21, s3  }
0x9d: {  	[timem:s7], [sflag:s22] =	dma.local [hbm:s5], s20  }
0x9e: {  	_ =	swait.ge [sflag:s22], s20  }
0x9f: {  	s4 =	ssub.s32 $0x0, s20;
	[sflag:s22] =	ssyncset.done $0x0  }
0xa0: {  	[sflag:s22] =	ssyncadd.s32 s4;
	_ =	sdelay $0x1  }
0xa1: {  	s23 =	simm.s32 $0x1B8B  }
0xa2: {  	_ =	swait.ge [sflag:s23], $0x1  }
0xa3: {  	[sflag:s23] =	ssyncset.done $0x0  }
0xa4: {  	s25 =	simm.s32 $0x1B8E;
	s24 =	sld [smem:$0x3FFE];
	[sflag:s23] =	ssyncadd.s32 $0xFFFFFFFF  }
0xa5: {  	s26 =	simm.s32 $execute0_lowered;
	[smem:$0x3FD2] =	sst s25  }
0xa6: {  	s5 =	sshll.u32 s26, $0x1;
	_ =	strace $0x80000046;
	[dreg:$0x1] =	wrdreg $0xFFFFFFFF  }
0xa7: {  	s28 =	simm.s32 $_size_execute0_lowered;
	s3 =	sadd.s32 s3, s5;
	[dreg:$0x0] =	wrdreg $0x0  }
0xa8: {  	s5 =	sshll.u32 s28, $0x1;
	[dreg:$0x2] =	wrdreg s3  }
0xa9: {  	[dreg:$0x3] =	wrdreg s5  }
0xaa: {  	[dreg:$0x4] =	wrdreg $0xC0  }
0xab: {  	_ =	task [dreg:s7], $0x5FFFF  }
0xac: {  	[dreg:$0x1] =	wrdreg $0xFFFFFFFF  }
0xad: {  	[dreg:$0x0] =	wrdreg $0x60  }
0xae: {  	[dreg:$0x2] =	wrdreg s24  }
0xaf: {  	[dreg:$0x3] =	wrdreg s2  }
0xb0: {  	[dreg:$0x4] =	wrdreg $0x68100  }
0xb1: {  	[dreg:$0x5] =	wrdreg $0x9  }
0xb2: {  	_ =	task.clear_ibuf [dreg:s7], $0x6FFFF;
	_ =	strace $0x90000046  }
0xb3: {  	s29 =	simm.s32 $0x9;
	_ =	strace $0x80000048  }
0xb4: {  	_ =	swait.ge [sflag:s29], $0x1  }
0xb5: {  	[sflag:s29] =	ssyncadd.s32 $0xFFFFFFFF  }
0xb6: {  	_ =	strace $0x90000048  }
0xb7: {  	_ =	sfence  }
0xb8: {  	s30 =	sld [smem:$0x0];
	_ =	sdelay $0x2  }
0xb9: {  	s31 =	sshll.u32 s1, $0xD;
	s1 =	sshrl.u32 s1, $0x2  }
0xba: {  	s3 =	sand.u32 $0x4000, s31;
	s1 =	sadd.s32 s1, s30  }
0xbb: {  	s0 =	sor.u32 s3, s0;
	s1 =	sshll.u32 s1, $0x11  }
0xbc: {  	s0 =	sor.u32 s1, s0  }
0xbd: {  	s0 =	sadd.s32 $0x8F2B, s0  }
0xbe: {  	[sflag:s0] =	ssyncadd.remote.s32 $0x1  }
0xbf: {  	_ =	sfence.sel $0xFFFF  }
0xc0: {  	[dreg:$0x0] =	wrdreg $0xFFFFFFFF;
	(pc) =	sbr.abs _section_cstart, $3  }
0xc1: {  	[dreg:$0x1] =	wrdreg $0xFFFFFFFF  }
0xc2: {  	_ =	task.clear_ibuf [dreg:s7], $0x2FFFF;
	_ =	strace $0x9FFFFFFF  }
0xc3: {  	(tm) =	ssettm $0x7FFFFFFF  }
tec
execute0_lowered:
.L_overlay_start_1:
0x0: {  	(tag) =	ssettag $0x1  }
0x1: {  	s4 =	rddreg [dreg:$0x0]  }
0x2: {  	s1 =	rddreg [dreg:$0x1]  }
0x3: {  	s2 =	rddreg [dreg:$0x2]  }
0x4: {  	s17 =	stileid.u32;
	s0 =	rddreg [dreg:$0x3]  }
0x5: {  	s3 =	srdreg.scid;
	s14 =	simm.s32 $0x4800;
	s15 =	simm.s32 $0x5800  }
0x6: {  	s16 =	simm.s32 $0x3000;
	s19 =	simm.s32 $0x6920;
	s5 =	sshll.u32 s17, $0x1  }
0x7: {  	s6 =	sshrl.u32 s17, $0x2;
	s18 =	sand.u32 $0x1, s3;
	s3 =	simm.s32 $0x0  }
0x8: {  	s11 =	sand.u32 $0x3, s17;
	s30 =	sshll.u32 s17, $0x4;
	p0 =	sne.s32 s17, $0x0  }
0x9: {  	s17 =	simm.s32 $0x6800;
	s5 =	sand.u32 $0x6, s5;
	s7 =	smul.u32 $0x300, s6  }
0xa: {  	[smem:$0x7FF] =	sst s3;
	s6 =	sshll.u32 s6, $0xC;
	s24 =	sshll.u32 s18, $0x1  }
0xb: {  	s25 =	ssub.s32 $0x2, s18;
	s28 =	sshll.u32 s11, $0xB;
	s12 =	sshll.u32 s18, $0xA  }
0xc: {  	s11 =	sshll.u32 s11, $0x9;
	s31 =	sshll.u32 s18, $0x8;
	p1 =	seq.s32 s18, $0x0  }
0xd: {  	s5 =	sor.u32 s18, s5;
	_ =	strace $0x80000047;
	s9 =	sadd.s32 s24, s4  }
0xe: {  	s26 =	sshrl.u32 s25, $0x1;
	s29 =	sor.u32 s12, s28;
	s11 =	sor.u32 s31, s11  }
0xf: {  	s12 =	simm.s32 $0x1;
	s18 =	simm.s32 $0x6820;
	s5 =	sshll.u32 s5, $0x9  }
0x10: {  	s7 =	sadd.s32 s7, s4;
	s10 =	ssub.s32 s25, s26;
	s13 =	sor.u32 $0x2000, s29  }
.Ltmp0:
0x11: {  	s9 =	sadd.s32 $0xA000, s9;
	s5 =	sor.u32 s6, s5;
	(pc) =	sbr.rel .LBB2_1-.Ltmp0, $4  }
0x12: {  	s20 =	sshrl.u32 s13, $0x2;
	s10 =	smax.u32 s10, $0x1;
	s13 =	simm.s32 $0x1800  }
0x13: {  	s8 =	sadd.s32 s5, s4;
	s4 =	sadd.s32 $0x1400, s7;
	s5 =	sadd.s32 $0x800, s7  }
0x14: {  	vm0 =	vmmov $0x1;
	vm1 =	vcmask $0x314;
	s21 =	sadd.s32 $0x1800, s20;
	s22 =	sor.u32 $0x3000, s20;
	v1 =	vmov s20;
	s20 =	simm.s32 $0x0  }
0x15: {  	vm2 =	vcmask $0x300;
	s6 =	sadd.s32 $0x2000, s8;
	s7 =	sadd.s32 $0x6000, s8;
	s8 =	sadd.s32 s30, s2;
	v0 =	vmov s21;
	v2 =	vmov s22  }
.LBB2_7:
0x16: {  	s20 =	sadd.s32 $0x1, s20  }
0x17: {  	p2 =	sne.s32 s20, s10  }
.Ltmp1:
0x18: {  	_ = 	snop;
	(pc) =	sbr.rel @!p2 .LBB2_8-.Ltmp1, $1  }
0x19: {  	_ =	sdelay $0x3  }
.LBB2_1:
0x1a: {  	[tilespmem:s3], [sflag:$0x1] =	stream.linear.gather [hbm4b:s4+s3], $0x1800, $0x38;
	[tilespmem:$0x6930] =	vst v63  }
0x1b: {  	_ =	swait.ge [sflag:s12], $0x1800  }
0x1c: {  	[sflag:s12] =	ssyncset.done $0x0  }
0x1d: {  	[sflag:s12] =	ssyncadd.s32 $0xFFFFE800  }
0x1e: {  	[tilespmem:s13], [sflag:$0x1] =	stream.linear.gather [hbm4b:s5+s3], $0x1800, $0x38;
	[tilespmem:$0x6930] =	vst v63  }
0x1f: {  	_ =	swait.ge [sflag:s12], $0x1800  }
0x20: {  	[sflag:s12] =	ssyncset.done $0x0  }
0x21: {  	[sflag:s12] =	ssyncadd.s32 $0xFFFFE800  }
0x22: {  	[tilespmem:s14], [sflag:$0x1] =	stream.linear.gather [hbm4b:s6+s3], $0x1000, $0x38;
	[tilespmem:$0x6930] =	vst v63  }
0x23: {  	_ =	swait.ge [sflag:s12], $0x1000  }
0x24: {  	[sflag:s12] =	ssyncset.done $0x0  }
0x25: {  	[sflag:s12] =	ssyncadd.s32 $0xFFFFF000  }
0x26: {  	[tilespmem:s15], [sflag:$0x1] =	stream.linear.gather [hbm4b:s7+s3], $0x1000, $0x38;
	[tilespmem:$0x6930] =	vst v63  }
0x27: {  	_ =	swait.ge [sflag:s12], $0x1000  }
0x28: {  	[sflag:s12] =	ssyncset.done $0x0  }
0x29: {  	s21 =	simm.s32 $0x0;
	[sflag:s12] =	ssyncadd.s32 $0xFFFFF000  }
0x2a: {  	v3 =	vld.idx.msk [tilespmem:v0+s21+$0xFFFFF800 ss:$0x1], $0xffff  }
0x2b: {  	v4 =	vld.idx.msk [tilespmem:v1+s21+$0xFFFFF800 ss:$0x1], $0xffff;
	_ =	sdelay $0x4  }
0x2c: {  	v3 =	vsub.f32 v3, v4;
	_ =	sdelay $0x1  }
0x2d: {  	[tilespmem:v2+s21+$0xFFFFF800 ss:$0x1] =	vst.idx.msk $0xffff, v3  }
0x2e: {  	v3 =	vld.idx.msk [tilespmem:v0+s21+$0x0 ss:$0x1], $0xffff  }
0x2f: {  	v4 =	vld.idx.msk [tilespmem:v1+s21+$0x0 ss:$0x1], $0xffff;
	_ =	sdelay $0x4  }
0x30: {  	v3 =	vsub.f32 v3, v4;
	_ =	sdelay $0x1  }
0x31: {  	[tilespmem:v2+s21+$0x0 ss:$0x1] =	vst.idx.msk $0xffff, v3  }
0x32: {  	v3 =	vld.idx.msk [tilespmem:v0+s21+$0x800 ss:$0x1], $0xffff  }
0x33: {  	s22 =	simm.s32 $0x40;
	v4 =	vld.idx.msk [tilespmem:v1+s21+$0x800 ss:$0x1], $0xffff  }
.LBB2_2:
0x34: {  	_ =	sdelay $0x2  }
0x35: {  	p2 =	sne.s32 s22, $0x3C0;
	s23 =	smov.u32 s22;
	s22 =	sadd.s32 $0x40, s22  }
0x36: {  	v3 =	vsub.f32 v3, v4;
	_ =	sdelay $0x1  }
0x37: {  	[tilespmem:v2+s21+$0x800 ss:$0x1] =	vst.idx.msk $0xffff, v3;
	s21 =	sshra.s32 s23, $0x2  }
0x38: {  	v3 =	vld.idx.msk [tilespmem:v0+s21+$0xFFFFF800 ss:$0x1], $0xffff  }
0x39: {  	v4 =	vld.idx.msk [tilespmem:v1+s21+$0xFFFFF800 ss:$0x1], $0xffff;
	_ =	sdelay $0x5  }
0x3a: {  	v3 =	vsub.f32 v3, v4;
	_ =	sdelay $0x1  }
0x3b: {  	[tilespmem:v2+s21+$0xFFFFF800 ss:$0x1] =	vst.idx.msk $0xffff, v3  }
0x3c: {  	v3 =	vld.idx.msk [tilespmem:v0+s21+$0x0 ss:$0x1], $0xffff  }
0x3d: {  	v4 =	vld.idx.msk [tilespmem:v1+s21+$0x0 ss:$0x1], $0xffff;
	_ =	sdelay $0x5  }
.Ltmp2:
0x3e: {  	v3 =	vsub.f32 v3, v4;
	(pc) =	sbr.rel @p2 .LBB2_2-.Ltmp2, $4  }
0x3f: {  	_ = 	snop  }
0x40: {  	[tilespmem:v2+s21+$0x0 ss:$0x1] =	vst.idx.msk $0xffff, v3  }
0x41: {  	v3 =	vld.idx.msk [tilespmem:v0+s21+$0x800 ss:$0x1], $0xffff  }
0x42: {  	v4 =	vld.idx.msk [tilespmem:v1+s21+$0x800 ss:$0x1], $0xffff  }
0x43: {  	_ =	sdelay $0x3  }
0x44: {  	v3 =	vsub.f32 v3, v4;
	_ =	sdelay $0x1  }
0x45: {  	s29 =	simm.s32 $0x0;
	[tilespmem:v2+s21+$0x800 ss:$0x1] =	vst.idx.msk $0xffff, v3  }
0x46: {  	v3 =	vld [tilespmem:s29+$0x4800]  }
0x47: {  	v5 =	vmov s11;
	v4 =	vld [tilespmem:s29+$0x5800]  }
0x48: {  	v6 =	vor.u32 $0x800, v5  }
0x49: {  	s30 =	simm.s32 $0x10  }
0x4a: {  	v9 =	vld [tilespmem:s30+$0x4800]  }
0x4b: {  	v10 =	vld [tilespmem:s30+$0x5800];
	v7 =	vadd.s32 $0x800, v3  }
0x4c: {  	v8 =	vld.idx.msk [tilespmem:v5+s16+$0x0], $0xffff;
	v11 =	vadd.s32 $0x800, v4  }
0x4d: {  	v14 =	vld.idx.msk [tilespmem:v6+s16+$0x0], $0xffff;
	v13 =	vadd.s32 $0x1000, v4  }
0x4e: {  	v12 =	vld.idx.msk [tilespmem:v3+s3+$0x0], $0xffff;
	v3 =	vadd.s32 $0x1000, v3  }
0x4f: {  	v4 =	vld.idx.msk [tilespmem:v4+s13+$0x0], $0xffff  }
0x50: {  	v6 =	vor.u32 $0x1000, v5;
	v7 =	vld.idx.msk [tilespmem:v7+s3+$0x0], $0xffff  }
0x51: {  	s22 =	sadd.s32 $0x1, s11;
	v11 =	vld.idx.msk [tilespmem:v11+s13+$0x0], $0xffff  }
0x52: {  	v15 =	vmov s22;
	v13 =	vld.idx.msk [tilespmem:v13+s13+$0x0], $0xffff  }
0x53: {  	s31 =	simm.s32 $0x20;
	v16 =	vld.idx.msk [tilespmem:v3+s3+$0x0], $0xffff  }
0x54: {  	v5 =	vld [tilespmem:s31+$0x4800]  }
0x55: {  	v17 =	vor.u32 $0x800, v15;
	v18 =	vld.idx.msk [tilespmem:v6+s16+$0x0], $0xffff;
	v4 =	vsub.f32 v4, v12  }
0x56: {  	v6 =	vld [tilespmem:s31+$0x5800];
	v20 =	vadd.s32 $0x800, v10  }
0x57: {  	v19 =	vadd.s32 $0x800, v9;
	v3 =	vld.idx.msk [tilespmem:v15+s16+$0x0], $0xffff;
	v4 =	vsub.f32 v4, v8;
	v11 =	vsub.f32 v11, v7  }
0x58: {  	v7 =	vld.idx.msk [tilespmem:v9+s3+$0x0], $0xffff;
	v16 =	vsub.f32 v13, v16;
	v13 =	vadd.s32 $0x1000, v9  }
0x59: {  	v8 =	vld.idx.msk [tilespmem:v10+s13+$0x0], $0xffff;
	v22 =	vmul.f32 v4, v4;
	v23 =	vsub.f32 v11, v14;
	v11 =	vadd.s32 $0x1000, v10  }
0x5a: {  	v21 =	vimm.f32 $0.0e+00;
	v12 =	vor.u32 $0x1000, v15;
	v4 =	vld.idx.msk [tilespmem:v17+s16+$0x0], $0xffff  }
0x5b: {  	v10 =	vld.idx.msk [tilespmem:v20+s13+$0x0], $0xffff;
	v14 =	vadd.f32 v22, v21;
	v15 =	vmul.f32 v23, v23;
	v16 =	vsub.f32 v16, v18  }
0x5c: {  	s22 =	sadd.s32 $0x1, s22;
	s21 =	simm.s32 $0xC0;
	v9 =	vld.idx.msk [tilespmem:v19+s3+$0x0], $0xffff  }
.LBB2_4:
0x5d: {  	p2 =	sne.s32 s21, $0x3FC0;
	v17 =	vmov s22;
	v18 =	vld.idx.msk [tilespmem:v13+s3+$0x0], $0xffff;
	v13 =	vadd.f32 v15, v14;
	v14 =	vmul.f32 v16, v16  }
0x5e: {  	s23 =	sshra.s32 s21, $0x2;
	v15 =	vld.idx.msk [tilespmem:v11+s13+$0x0], $0xffff  }
0x5f: {  	v16 =	vld [tilespmem:s23+$0x4800];
	v14 =	vadd.f32 v14, v13  }
0x60: {  	v19 =	vor.u32 $0x800, v17;
	v7 =	vsub.f32 v8, v7;
	v20 =	vld.idx.msk [tilespmem:v12+s16+$0x0], $0xffff  }
0x61: {  	v22 =	vadd.s32 $0x800, v5;
	v21 =	vld [tilespmem:s23+$0x5800]  }
0x62: {  	v23 =	vadd.s32 $0x800, v6;
	v12 =	vsub.f32 v7, v3;
	v9 =	vsub.f32 v10, v9;
	v3 =	vld.idx.msk [tilespmem:v17+s16+$0x0], $0xffff  }
.Ltmp3:
0x63: {  	v11 =	vadd.s32 $0x1000, v6;
	v13 =	vadd.s32 $0x1000, v5;
	v7 =	vld.idx.msk [tilespmem:v5+s3+$0x0], $0xffff;
	(pc) =	sbr.rel @p2 .LBB2_4-.Ltmp3, $4  }
0x64: {  	v24 =	vmul.f32 v12, v12;
	v10 =	vsub.f32 v9, v4;
	v18 =	vsub.f32 v15, v18;
	v8 =	vld.idx.msk [tilespmem:v6+s13+$0x0], $0xffff  }
0x65: {  	v12 =	vor.u32 $0x1000, v17;
	v5 =	vmov v16;
	v4 =	vld.idx.msk [tilespmem:v19+s16+$0x0], $0xffff  }
0x66: {  	v14 =	vadd.f32 v24, v14;
	v15 =	vmul.f32 v10, v10;
	v16 =	vsub.f32 v18, v20;
	v9 =	vld.idx.msk [tilespmem:v22+s3+$0x0], $0xffff  }
0x67: {  	s21 =	sadd.s32 $0x40, s21;
	s22 =	sadd.s32 $0x1, s22;
	v6 =	vmov v21;
	v10 =	vld.idx.msk [tilespmem:v23+s13+$0x0], $0xffff  }
0x68: {  	_ =	sdelay $0x3  }
0x69: {  	v17 =	vmov s22;
	v13 =	vld.idx.msk [tilespmem:v13+s3+$0x0], $0xffff  }
0x6a: {  	v11 =	vld.idx.msk [tilespmem:v11+s13+$0x0], $0xffff;
	v19 =	vadd.s32 $0x800, v5  }
0x6b: {  	v12 =	vld.idx.msk [tilespmem:v12+s16+$0x0], $0xffff;
	v21 =	vadd.s32 $0x800, v6  }
0x6c: {  	v44 =	vld.idx.msk [tilespmem:v5+s3+$0x0], $0xffff;
	v45 =	vadd.s32 $0x1000, v5  }
0x6d: {  	v47 =	vadd.s32 $0x1000, v6;
	v48 =	vld.idx.msk [tilespmem:v6+s13+$0x0], $0xffff;
	v7 =	vsub.f32 v8, v7  }
0x6e: {  	v14 =	vadd.f32 v15, v14;
	v18 =	vor.u32 $0x800, v17;
	v20 =	vld.idx.msk [tilespmem:v17+s16+$0x0], $0xffff  }
0x6f: {  	v46 =	vmul.f32 v16, v16;
	v3 =	vsub.f32 v7, v3;
	v49 =	vsub.f32 v10, v9;
	v53 =	vld.idx.msk [tilespmem:v19+s3+$0x0], $0xffff  }
0x70: {  	v52 =	vor.u32 $0x1000, v17;
	v55 =	vld.idx.msk [tilespmem:v21+s13+$0x0], $0xffff  }
0x71: {  	v51 =	vadd.f32 v46, v14;
	v3 =	vmul.f32 v3, v3;
	v5 =	vld.idx.msk [tilespmem:v45+s3+$0x0], $0xffff;
	v4 =	vsub.f32 v49, v4  }
0x72: {  	v54 =	vsub.f32 v11, v13;
	v56 =	vld.idx.msk [tilespmem:v47+s13+$0x0], $0xffff  }
0x73: {  	v50 =	vld.idx.msk [tilespmem:v18+s16+$0x0], $0xffff;
	v3 =	vadd.f32 v3, v51;
	v4 =	vmul.f32 v4, v4  }
0x74: {  	v6 =	vsub.f32 v48, v44;
	v7 =	vsub.f32 v54, v12  }
0x75: {  	v58 =	vld.idx.msk [tilespmem:v52+s16+$0x0], $0xffff;
	v3 =	vadd.f32 v4, v3  }
0x76: {  	v57 =	vmul.f32 v7, v7;
	v6 =	vsub.f32 v6, v20;
	v59 =	vsub.f32 v55, v53  }
0x77: {  	v5 =	vsub.f32 v56, v5  }
0x78: {  	v3 =	vadd.f32 v57, v3;
	v60 =	vmul.f32 v6, v6;
	v61 =	vsub.f32 v59, v50;
	_ =	sdelay $0x1  }
0x79: {  	v5 =	vsub.f32 v5, v58;
	v3 =	vadd.f32 v60, v3;
	v62 =	vmul.f32 v61, v61;
	_ =	sdelay $0x1  }
0x7a: {  	v63 =	vmul.f32 v5, v5;
	v3 =	vadd.f32 v62, v3;
	_ =	sdelay $0x1  }
0x7b: {  	v3 =	vadd.f32 v63, v3;
	_ =	sdelay $0x1  }
0x7c: {  	[tilespmem:$0x6800] =	vst v3  }
0x7d: {  	[spmem:s8] =	stream.linear.scatter [tilespmem:s17], [sflag:$0x1], $0x10, $0x38;
	[tilespmem:$0x6930] =	vst v63  }
.Ltmp4:
0x7e: {  	_ =	swait.ge [sflag:s12], $0x10;
	(pc) =	sbr.rel @p0 .LBB2_7-.Ltmp4, $3  }
0x7f: {  	[sflag:s12] =	ssyncset.done $0x0  }
0x80: {  	[sflag:s12] =	ssyncadd.s32 $0xFFFFFFF0  }
0x81: {  	[bflag:$0x0] =	sbarrier.arrive $0xFFFF;
	_ =	sdelay $0x1  }
0x82: {  	[tilespmem:s18], [sflag:$0x1] =	stream.linear.gather [spmem:s2], $0x100, $0x38;
	[tilespmem:$0x6930] =	vst v63  }
0x83: {  	_ =	swait.ge [sflag:s12], $0x100  }
0x84: {  	[sflag:s12] =	ssyncset.done $0x0  }
0x85: {  	[sflag:s12] =	ssyncadd.s32 $0xFFFFFF00  }
0x86: {  	[tilespmem:s19], [sflag:$0x1] =	stream.linear.gather [hbm4b:s1+s3], $0x10, $0x38;
	[tilespmem:$0x6930] =	vst v63  }
0x87: {  	_ =	swait.ge [sflag:s12], $0x10  }
0x88: {  	[sflag:s12] =	ssyncset.done $0x0  }
0x89: {  	[sflag:s12] =	ssyncadd.s32 $0xFFFFFFF0  }
0x8a: {  	v3 =	vld [tilespmem:$0x6820];
	_ =	sdelay $0x1  }
0x8b: {  	v4 =	vld [tilespmem:$0x6830];
	_ =	sdelay $0x1  }
0x8c: {  	v5 =	vld [tilespmem:$0x6840]  }
0x8d: {  	v3 =	vadd.f32 $0.0e+00, v3  }
0x8e: {  	v6 =	vld [tilespmem:$0x6850]  }
0x8f: {  	v3 =	vadd.f32 v4, v3  }
0x90: {  	v50 =	vld [tilespmem:$0x6860]  }
0x91: {  	v3 =	vadd.f32 v5, v3  }
0x92: {  	v51 =	vld [tilespmem:$0x6870]  }
0x93: {  	v3 =	vadd.f32 v6, v3  }
0x94: {  	v52 =	vld [tilespmem:$0x6880]  }
0x95: {  	v3 =	vadd.f32 v50, v3  }
0x96: {  	v53 =	vld [tilespmem:$0x6890]  }
0x97: {  	v3 =	vadd.f32 v51, v3  }
0x98: {  	v54 =	vld [tilespmem:$0x68A0]  }
0x99: {  	v3 =	vadd.f32 v52, v3  }
0x9a: {  	v55 =	vld [tilespmem:$0x68B0]  }
0x9b: {  	v3 =	vadd.f32 v53, v3  }
0x9c: {  	v56 =	vld [tilespmem:$0x68C0]  }
0x9d: {  	v3 =	vadd.f32 v54, v3  }
0x9e: {  	v57 =	vld [tilespmem:$0x68D0]  }
0x9f: {  	v3 =	vadd.f32 v55, v3  }
0xa0: {  	v58 =	vld [tilespmem:$0x68E0]  }
0xa1: {  	v3 =	vadd.f32 v56, v3  }
0xa2: {  	v59 =	vld [tilespmem:$0x68F0]  }
0xa3: {  	v3 =	vadd.f32 v57, v3  }
0xa4: {  	v60 =	vld [tilespmem:$0x6900]  }
0xa5: {  	v61 =	vld [tilespmem:$0x6920];
	v3 =	vadd.f32 v58, v3  }
0xa6: {  	v7 =	vld [tilespmem:$0x6910]  }
0xa7: {  	v3 =	vadd.f32 v59, v3;
	_ =	sdelay $0x1  }
0xa8: {  	v3 =	vadd.f32 v60, v3  }
0xa9: {  	v62 =	vadd.f32 $-1.000000000e+00, v61  }
0xaa: {  	v3 =	vadd.f32 v7, v3  }
0xab: {  	v4 =	vmul.f32 v62, v62  }
0xac: {  	(xrf2) =	vadd.scan.msk.f32 $0xffff, v3;
	v3 =	vnsel vm0, $0x0, v61  }
0xad: {  	(xrf2) =	vadd.scan.msk.f32 $0xffff, v3;
	v3 =	vsel vm1, $0x0, v4  }
0xae: {  	(xrf2) =	vadd.scan.msk.f32 $0xffff, v3;
	_ =	sdelay $0x7  }
0xaf: {  	v3, _, _ =	vpop (xrf2)  }
0xb0: {  	v63, _, _ =	vpop (xrf2);
	(v2sf) =	vpush v3, $0xF  }
0xb1: {  	(v2sf) =	vpush v63, $0xF;
	v3, _, _ =	vpop (xrf2)  }
0xb2: {  	(v2sf) =	vpush v3, $0xF;
	_ =	sdelay $0xc  }
0xb3: {  	s21 =	spop (v2sf)  }
0xb4: {  	s22 =	spop (v2sf)  }
0xb5: {  	s23 =	spop (v2sf)  }
0xb6: {  	s23 =	smul.f32 $2.500000040e-02, s23;
	_ =	sdelay $0x1  }
0xb7: {  	s22 =	sadd.f32 s23, s22  }
0xb8: {  	s21 =	smul.f32 $1.271565790e-06, s21  }
0xb9: {  	s22 =	simm.s32 @!p1 $0x0  }
0xba: {  	s21 =	sadd.f32 s22, s21;
	_ =	sdelay $0x1  }
0xbb: {  	v3 =	vmov s21  }
0xbc: {  	v3 =	vnsel vm2, $0x0, v3  }
.Ltmp5:
0xbd: {  	[tilespmem:$0x6800] =	vst v3;
	(pc) =	sbr.rel .LBB2_7-.Ltmp5, $4  }
0xbe: {  	[hbm4b:s9+s3] =	stream.linear.scatter [tilespmem:s17], [sflag:$0x1], $0x10, $0x38;
	[tilespmem:$0x6930] =	vst v63  }
0xbf: {  	_ =	swait.ge [sflag:s12], $0x10  }
0xc0: {  	[sflag:s12] =	ssyncset.done $0x0  }
0xc1: {  	[sflag:s12] =	ssyncadd.s32 $0xFFFFFFF0  }
.LBB2_8:
0xc2: {  	_ =	sfence.sel $0x180000  }
0xc3: {  	[bflag:$0x0] =	sbarrier.arrive $0xFFFF  }
0xc4: {  	_ =	strace $0x90000047  }
0xc5: {  	s0 =	sadd.s32 @!p0 $0x100000, s0;
	[bflag:$0x2] =	sbarrier.arrive $0xFFFF  }
0xc6: {  	[sflag:s0] =	ssyncadd.tile.s32 @!p0 $0x1;
	_ =	shalt  }
.Lfunc_end2:
_tile_overlayer_lowered:
.L_overlay_start_2:
0xc7: {  	(tag) =	ssettag $0x2  }
0xc8: {  	s0 =	rddreg [dreg:$0x0];
	s2 =	stileid.u32  }
0xc9: {  	s1 =	rddreg [dreg:$0x1];
	p0 =	sne.s32 s2, $0x0  }
0xca: {  	s3 =	rddreg [dreg:$0x2];
	[bflag:$0x3] =	sbarrier.arrive $0xFFFF;
	s2 =	simm.s32 @!p0 $0x1C01  }
0xcb: {  	[timem:s3], [sflag:s2] =	dma.local @!p0 [hbm:s0], s1  }
0xcc: {  	s0 =	simm.s32 @!p0 $0x1  }
0xcd: {  	_ =	swait.ge @!p0 [sflag:s0], s1  }
0xce: {  	s1 =	ssub.s32 @!p0 $0x0, s1;
	[sflag:s0] =	ssyncset.done @!p0 $0x0  }
0xcf: {  	[sflag:s0] =	ssyncadd.s32 @!p0 s1  }
0xd0: {  	[bflag:$0x3] =	sbarrier.arrive $0xFFFF  }
0xd1: {  	_ =	shalt  }

</sc_bundles>
